<compile_context>
chip_gen: v7x
topology: tpu7x:2x2x1
jax: 0.10.2.dev20260603
libtpu: 0.0.44.dev20260713+nightly
codegen_flags: <defaults>
</compile_context>

<pallas_src>
import functools

import jax
import jax.numpy as jnp
from jax import lax
from jax.experimental import pallas as pl
from jax.experimental.pallas import tpu as pltpu
from jax.experimental.pallas import tpu_sc as plsc

N = 10000
NP = 10240
E = 320000
CH = 128
NC, NS = 2, 16
NW = NC * NS
CPT = ((-(-E // (CH * NW)) + 7) // 8) * 8
EP = CPT * CH * NW
CPT2 = CPT // 2

WIN = 40
RPS = NP // NS
BLK = 1024
GRID = NP // BLK


def _sc_mesh():
    return plsc.VectorSubcoreMesh(
        core_axis_name="c", subcore_axis_name="s",
        num_cores=NC, num_subcores=NS)



@functools.partial(
    pl.kernel,
    out_type=jax.ShapeDtypeStruct((NC, NP), jnp.float32),
    mesh=_sc_mesh(),
    scratch_types=[
        pltpu.VMEM((CPT, CH), jnp.int32),
        pltpu.VMEM((CH,), jnp.float32),
        pltpu.VMEM_SHARED((NP,), jnp.float32),
    ],
)
def _deg_kernel(dst_hbm, zeros_hbm, out_hbm, idx_v, ones_v, acc):
    c = lax.axis_index("c")
    s = lax.axis_index("s")
    w = c * NS + s
    pltpu.sync_copy(zeros_hbm.at[pl.ds(s * RPS, RPS)],
                    acc.at[pl.ds(s * RPS, RPS)])
    for i in range(CH // 16):
        ones_v[pl.ds(i * 16, 16)] = jnp.full((16,), 1.0, jnp.float32)
    pltpu.sync_copy(dst_hbm.at[pl.ds(w * CPT, CPT)], idx_v)
    plsc.subcore_barrier()

    def step(j, carry):
        pltpu.sync_copy(ones_v, acc.at[idx_v.at[j]], add=True)
        return carry

    lax.fori_loop(0, CPT, step, 0)
    plsc.subcore_barrier()
    pltpu.sync_copy(acc.at[pl.ds(s * RPS, RPS)],
                    out_hbm.at[c, pl.ds(s * RPS, RPS)])



def _make_agg(F):
    @functools.partial(
        pl.kernel,
        out_type=jax.ShapeDtypeStruct((NC, NP, F), jnp.float32),
        mesh=_sc_mesh(),
        scratch_types=[
            pltpu.VMEM((WIN, CH), jnp.int32),
            pltpu.VMEM((WIN, CH), jnp.int32),
            pltpu.VMEM((2, CH, F), jnp.float32),
            pltpu.VMEM_SHARED((NP, F), jnp.float32),
            pltpu.SemaphoreType.DMA,
            pltpu.SemaphoreType.DMA,
        ],
    )
    def _agg(u_hbm, src_hbm, dst_hbm, zeros_hbm, out_hbm,
             si_v, di_v, rows_v, acc, gsem, ssem):
        c = lax.axis_index("c")
        s = lax.axis_index("s")
        tile_base = (c * NS + s) * CPT
        pltpu.sync_copy(zeros_hbm.at[pl.ds(s * RPS, RPS)],
                        acc.at[pl.ds(s * RPS, RPS)])
        plsc.subcore_barrier()

        def window(h, carry0):
            base = pl.multiple_of(tile_base + h * WIN, 8)
            pltpu.sync_copy(src_hbm.at[pl.ds(base, WIN)], si_v)
            pltpu.sync_copy(dst_hbm.at[pl.ds(base, WIN)], di_v)

            pltpu.async_copy(u_hbm.at[si_v.at[0]], rows_v.at[0], gsem)

            def step(j, carry):
                p = lax.rem(j, 2)
                q = 1 - p
                pltpu.make_async_copy(
                    u_hbm.at[si_v.at[j]], rows_v.at[p], gsem).wait()

                @pl.when(j >= 1)
                def _():
                    pltpu.make_async_copy(
                        rows_v.at[q], acc.at[di_v.at[j]], ssem).wait()

                @pl.when(j + 1 < WIN)
                def _():
                    pltpu.async_copy(
                        u_hbm.at[si_v.at[j + 1]], rows_v.at[q], gsem)

                pltpu.async_copy(
                    rows_v.at[p], acc.at[di_v.at[j]], ssem, add=True)
                return carry

            lax.fori_loop(0, WIN, step, 0)
            pltpu.make_async_copy(rows_v.at[0], acc.at[di_v.at[0]], ssem).wait()
            return carry0

        lax.fori_loop(0, CPT // WIN, window, 0)
        plsc.subcore_barrier()
        pltpu.sync_copy(acc.at[pl.ds(s * RPS, RPS)],
                        out_hbm.at[c, pl.ds(s * RPS, RPS)])

    return _agg



def _tc1_body(degp_ref, x_ref, w1_ref, u1_ref, d_ref):
    deg = degp_ref[:, 0:1] + degp_ref[:, 1:2] + 1.0
    d = lax.rsqrt(deg)
    u1_ref[...] = jnp.dot(x_ref[...], w1_ref[...],
                          preferred_element_type=jnp.float32) * d
    d_ref[...] = d


def _tc2_body(q0_ref, q1_ref, u1_ref, d_ref, b1_ref, v_ref):
    t = q0_ref[0] + q1_ref[0] + u1_ref[...]
    h = jnp.maximum(t * d_ref[...] + b1_ref[...], 0.0)
    v_ref[...] = h * d_ref[...]


def _tc3_body(r0_ref, r1_ref, v_ref, d_ref, b2_ref, w2_ref, out_ref):
    t = (r0_ref[0] + r1_ref[0] + v_ref[...]) * d_ref[...]
    out_ref[...] = jnp.dot(t, w2_ref[...],
                           preferred_element_type=jnp.float32) + b2_ref[...]


def _tc1(degp_t, x_p, W1):
    H = W1.shape[1]
    return pl.pallas_call(
        _tc1_body,
        grid=(GRID,),
        in_specs=[
            pl.BlockSpec((BLK, NC), lambda i: (i, 0)),
            pl.BlockSpec((BLK, x_p.shape[1]), lambda i: (i, 0)),
            pl.BlockSpec(W1.shape, lambda i: (0, 0)),
        ],
        out_specs=[
            pl.BlockSpec((BLK, H), lambda i: (i, 0)),
            pl.BlockSpec((BLK, 1), lambda i: (i, 0)),
        ],
        out_shape=[
            jax.ShapeDtypeStruct((NP, H), jnp.float32),
            jax.ShapeDtypeStruct((NP, 1), jnp.float32),
        ],
    )(degp_t, x_p, W1)


def _tc2(q, u1, d, b1r):
    H = u1.shape[1]
    return pl.pallas_call(
        _tc2_body,
        grid=(GRID,),
        in_specs=[
            pl.BlockSpec((1, BLK, H), lambda i: (0, i, 0)),
            pl.BlockSpec((1, BLK, H), lambda i: (1, i, 0)),
            pl.BlockSpec((BLK, H), lambda i: (i, 0)),
            pl.BlockSpec((BLK, 1), lambda i: (i, 0)),
            pl.BlockSpec((1, H), lambda i: (0, 0)),
        ],
        out_specs=pl.BlockSpec((BLK, H), lambda i: (i, 0)),
        out_shape=jax.ShapeDtypeStruct((NP, H), jnp.float32),
    )(q, q, u1, d, b1r)


def _tc3(r, v, d, b2r, W2):
    H = v.shape[1]
    O = W2.shape[1]
    return pl.pallas_call(
        _tc3_body,
        grid=(GRID,),
        in_specs=[
            pl.BlockSpec((1, BLK, H), lambda i: (0, i, 0)),
            pl.BlockSpec((1, BLK, H), lambda i: (1, i, 0)),
            pl.BlockSpec((BLK, H), lambda i: (i, 0)),
            pl.BlockSpec((BLK, 1), lambda i: (i, 0)),
            pl.BlockSpec((1, O), lambda i: (0, 0)),
            pl.BlockSpec(W2.shape, lambda i: (0, 0)),
        ],
        out_specs=pl.BlockSpec((BLK, O), lambda i: (i, 0)),
        out_shape=jax.ShapeDtypeStruct((NP, O), jnp.float32),
    )(r, r, v, d, b2r, W2)



def kernel(x, edge_index, W1, b1, W2, b2):
    H = W1.shape[1]
    O = W2.shape[1]
    src = edge_index[0]
    dst = edge_index[1]
    pad_e = EP - E
    pad_src = jnp.arange(pad_e, dtype=jnp.int32) % N
    src_p = jnp.concatenate([src, pad_src]).reshape(NW * CPT, CH)
    pad_dst = N + (jnp.arange(pad_e, dtype=jnp.int32) % (NP - N))
    dst_p = jnp.concatenate([dst, pad_dst]).reshape(NW * CPT, CH)
    x_p = jnp.pad(x, ((0, NP - N), (0, 0)))

    zeros1 = jnp.zeros((NP,), jnp.float32)
    zerosH = jnp.zeros((NP, H), jnp.float32)
    agg = _make_agg(H)

    degp = _deg_kernel(dst_p, zeros1)
    u1, d = _tc1(degp.T, x_p, W1)
    q = agg(u1, src_p, dst_p, zerosH)
    v = _tc2(q, u1, d, b1.reshape(1, H))
    r = agg(v, src_p, dst_p, zerosH)
    out = _tc3(r, v, d, b2.reshape(1, O), W2)
    return out[:N]

# --- scband reference (transcript-rebuilt; emitter-appended) ---
"""Pipeline reference for scband-gnndebugger-16338055594576 (READ-ONLY COPY).

The authoritative reference and input builder live on the scoring server;
editing this copy changes nothing except your own understanding.
"""

import jax, jax.numpy as jnp
import numpy as np

N_NODES = 10000
N_EDGES = 320000
IN_CH = 128
HID_CH = 128
OUT_CH = 64


def gcn_conv(x, edge_index, W, b):
    # Faithful PyG GCNConv: add self-loops, symmetric degree normalization,
    # linear transform, scatter-add aggregation, then bias.
    N = x.shape[0]
    src = edge_index[0]
    dst = edge_index[1]
    loop = jnp.arange(N, dtype=src.dtype)
    src = jnp.concatenate([src, loop])
    dst = jnp.concatenate([dst, loop])
    deg = jnp.zeros((N,), dtype=x.dtype).at[dst].add(1.0)
    deg_inv_sqrt = jnp.where(deg > 0, 1.0 / jnp.sqrt(deg), 0.0)
    norm = deg_inv_sqrt[src] * deg_inv_sqrt[dst]
    h = x @ W
    msgs = h[src] * norm[:, None]
    out = jnp.zeros((N, W.shape[1]), dtype=x.dtype).at[dst].add(msgs)
    return out + b


def setup_inputs(seed: int = 0) -> dict:
    key = jax.random.key(seed)
    ks = jax.random.split(key, 6)
    x = jax.random.normal(ks[0], (N_NODES, IN_CH), dtype=jnp.float32)
    edge_index = jax.random.randint(ks[1], (2, N_EDGES), 0, N_NODES, dtype=jnp.int32)
    s1 = float(np.sqrt(2.0 / (IN_CH + HID_CH)))
    s2 = float(np.sqrt(2.0 / (HID_CH + OUT_CH)))
    W1 = jax.random.normal(ks[2], (IN_CH, HID_CH), dtype=jnp.float32) * s1
    b1 = jnp.zeros((HID_CH,), dtype=jnp.float32)
    W2 = jax.random.normal(ks[3], (HID_CH, OUT_CH), dtype=jnp.float32) * s2
    b2 = jnp.zeros((OUT_CH,), dtype=jnp.float32)
    return {"x": x, "edge_index": edge_index, "W1": W1, "b1": b1, "W2": W2, "b2": b2}


def reference(x, edge_index, W1, b1, W2, b2):
    # conv1 -> relu -> (dropout is identity in eval) -> conv2
    h = gcn_conv(x, edge_index, W1, b1)
    h = jax.nn.relu(h)
    out = gcn_conv(h, edge_index, W2, b2)
    return out

if __name__ == "__main__":
    import jax
    _d = setup_inputs()
    print(jax.jit(kernel)(*tuple(_d.values())))

</pallas_src>

<mosaic_0001>
#map = affine_map<(d0, d1) -> (0, 0)>
#map1 = affine_map<(d0, d1) -> (0)>
module attributes {stable_mosaic.version = 14 : i64} {
  func.func @_deg_kernel(%arg0: i32, %arg1: i32, %arg2: memref<2560x128xi32, #tpu.memory_space<hbm>>, %arg3: memref<10240xf32, #tpu.memory_space<hbm>>, %arg4: memref<2x10240xf32, #tpu.memory_space<hbm>>, %arg5: memref<80x128xi32, #tpu.memory_space<vmem>>, %arg6: memref<128xf32, #tpu.memory_space<vmem>>, %arg7: memref<10240xf32, #tpu.memory_space<vmem_shared>>) attributes {dimension_semantics = [#tpu.dimension_semantics<core_parallel>, #tpu.dimension_semantics<subcore_parallel>], iteration_bounds = array<i64: 2, 16>, scalar_prefetch = 0 : i64, scratch_operands = 3 : i64, tpu.core_type = #tpu.core_type<sc_vector_subcore>, window_params = [{transform_indices = #map}, {transform_indices = #map1}, {transform_indices = #map}]} {
    %mul3A = arith.constant 16 : i32
    %mul3A_0 = arith.muli %arg0, %mul3A : i32
    %add3A = arith.addi %mul3A_0, %arg1 : i32
    %mul3A_1 = arith.constant 640 : i32
    %mul3A_2 = arith.muli %arg1, %mul3A_1 : i32
    %mul3A_3 = arith.constant 640 : i32
    %mul3A_4 = arith.muli %arg1, %mul3A_3 : i32
    "tpu.region"() ({
      %run_scoped3A = tpu.sem_alloc : memref<!tpu.dma_semaphore, #tpu.memory_space<semaphore_mem>>
      %dma_start3A = tpu.memref_slice %arg7[%mul3A_4] : memref<10240xf32, #tpu.memory_space<vmem_shared>> -> memref<640xf32, #tpu.memory_space<vmem_shared>>
      %dma_start3A_63 = tpu.memref_slice %arg3[%mul3A_2] : memref<10240xf32, #tpu.memory_space<hbm>> -> memref<640xf32, #tpu.memory_space<hbm>>
      tpu.enqueue_dma source(%dma_start3A_63 : memref<640xf32, #tpu.memory_space<hbm>>) target(%dma_start3A : memref<640xf32, #tpu.memory_space<vmem_shared>>) target_semaphore(%run_scoped3A : memref<!tpu.dma_semaphore, #tpu.memory_space<semaphore_mem>>)
      %dma_wait3A = tpu.memref_slice %arg7[%mul3A_4] : memref<10240xf32, #tpu.memory_space<vmem_shared>> -> memref<640xf32, #tpu.memory_space<vmem_shared>>
      %dma_wait3A_64 = tpu.memref_slice %arg3[%mul3A_2] : memref<10240xf32, #tpu.memory_space<hbm>> -> memref<640xf32, #tpu.memory_space<hbm>>
      tpu.wait_dma2 semaphore(%run_scoped3A : memref<!tpu.dma_semaphore, #tpu.memory_space<semaphore_mem>>) src(%dma_wait3A_64 : memref<640xf32, #tpu.memory_space<hbm>>) dst(%dma_wait3A : memref<640xf32, #tpu.memory_space<vmem_shared>>)
      tpu.yield
    }) : () -> ()
    %broadcast_in_dim3A = arith.constant 1.000000e+00 : f32
    %broadcast_in_dim3A_5 = vector.broadcast %broadcast_in_dim3A : f32 to vector<16xf32>
    %swap3A = arith.constant 0 : index
    %swap3A_6 = tpu.vector_load %arg6[%swap3A] {strides = array<i32>} : memref<128xf32, #tpu.memory_space<vmem>>, vector<16xf32>,
    %swap3A_7 = vector.shape_cast %swap3A_6 : vector<16xf32> to vector<16xf32>
    %swap3A_8 = vector.shape_cast %broadcast_in_dim3A_5 : vector<16xf32> to vector<16xf32>
    tpu.vector_store %arg6[%swap3A], %swap3A_8 {strides = array<i32>} : memref<128xf32, #tpu.memory_space<vmem>>, vector<16xf32>,
    %broadcast_in_dim3A_9 = arith.constant 1.000000e+00 : f32
    %broadcast_in_dim3A_10 = vector.broadcast %broadcast_in_dim3A_9 : f32 to vector<16xf32>
    %swap3A_11 = arith.constant 16 : index
    %swap3A_12 = tpu.vector_load %arg6[%swap3A_11] {strides = array<i32>} : memref<128xf32, #tpu.memory_space<vmem>>, vector<16xf32>,
    %swap3A_13 = vector.shape_cast %swap3A_12 : vector<16xf32> to vector<16xf32>
    %swap3A_14 = vector.shape_cast %broadcast_in_dim3A_10 : vector<16xf32> to vector<16xf32>
    tpu.vector_store %arg6[%swap3A_11], %swap3A_14 {strides = array<i32>} : memref<128xf32, #tpu.memory_space<vmem>>, vector<16xf32>,
    %broadcast_in_dim3A_15 = arith.constant 1.000000e+00 : f32
    %broadcast_in_dim3A_16 = vector.broadcast %broadcast_in_dim3A_15 : f32 to vector<16xf32>
    %swap3A_17 = arith.constant 32 : index
    %swap3A_18 = tpu.vector_load %arg6[%swap3A_17] {strides = array<i32>} : memref<128xf32, #tpu.memory_space<vmem>>, vector<16xf32>,
    %swap3A_19 = vector.shape_cast %swap3A_18 : vector<16xf32> to vector<16xf32>
    %swap3A_20 = vector.shape_cast %broadcast_in_dim3A_16 : vector<16xf32> to vector<16xf32>
    tpu.vector_store %arg6[%swap3A_17], %swap3A_20 {strides = array<i32>} : memref<128xf32, #tpu.memory_space<vmem>>, vector<16xf32>,
    %broadcast_in_dim3A_21 = arith.constant 1.000000e+00 : f32
    %broadcast_in_dim3A_22 = vector.broadcast %broadcast_in_dim3A_21 : f32 to vector<16xf32>
    %swap3A_23 = arith.constant 48 : index
    %swap3A_24 = tpu.vector_load %arg6[%swap3A_23] {strides = array<i32>} : memref<128xf32, #tpu.memory_space<vmem>>, vector<16xf32>,
    %swap3A_25 = vector.shape_cast %swap3A_24 : vector<16xf32> to vector<16xf32>
    %swap3A_26 = vector.shape_cast %broadcast_in_dim3A_22 : vector<16xf32> to vector<16xf32>
    tpu.vector_store %arg6[%swap3A_23], %swap3A_26 {strides = array<i32>} : memref<128xf32, #tpu.memory_space<vmem>>, vector<16xf32>,
    %broadcast_in_dim3A_27 = arith.constant 1.000000e+00 : f32
    %broadcast_in_dim3A_28 = vector.broadcast %broadcast_in_dim3A_27 : f32 to vector<16xf32>
    %swap3A_29 = arith.constant 64 : index
    %swap3A_30 = tpu.vector_load %arg6[%swap3A_29] {strides = array<i32>} : memref<128xf32, #tpu.memory_space<vmem>>, vector<16xf32>,
    %swap3A_31 = vector.shape_cast %swap3A_30 : vector<16xf32> to vector<16xf32>
    %swap3A_32 = vector.shape_cast %broadcast_in_dim3A_28 : vector<16xf32> to vector<16xf32>
    tpu.vector_store %arg6[%swap3A_29], %swap3A_32 {strides = array<i32>} : memref<128xf32, #tpu.memory_space<vmem>>, vector<16xf32>,
    %broadcast_in_dim3A_33 = arith.constant 1.000000e+00 : f32
    %broadcast_in_dim3A_34 = vector.broadcast %broadcast_in_dim3A_33 : f32 to vector<16xf32>
    %swap3A_35 = arith.constant 80 : index
    %swap3A_36 = tpu.vector_load %arg6[%swap3A_35] {strides = array<i32>} : memref<128xf32, #tpu.memory_space<vmem>>, vector<16xf32>,
    %swap3A_37 = vector.shape_cast %swap3A_36 : vector<16xf32> to vector<16xf32>
    %swap3A_38 = vector.shape_cast %broadcast_in_dim3A_34 : vector<16xf32> to vector<16xf32>
    tpu.vector_store %arg6[%swap3A_35], %swap3A_38 {strides = array<i32>} : memref<128xf32, #tpu.memory_space<vmem>>, vector<16xf32>,
    %broadcast_in_dim3A_39 = arith.constant 1.000000e+00 : f32
    %broadcast_in_dim3A_40 = vector.broadcast %broadcast_in_dim3A_39 : f32 to vector<16xf32>
    %swap3A_41 = arith.constant 96 : index
    %swap3A_42 = tpu.vector_load %arg6[%swap3A_41] {strides = array<i32>} : memref<128xf32, #tpu.memory_space<vmem>>, vector<16xf32>,
    %swap3A_43 = vector.shape_cast %swap3A_42 : vector<16xf32> to vector<16xf32>
    %swap3A_44 = vector.shape_cast %broadcast_in_dim3A_40 : vector<16xf32> to vector<16xf32>
    tpu.vector_store %arg6[%swap3A_41], %swap3A_44 {strides = array<i32>} : memref<128xf32, #tpu.memory_space<vmem>>, vector<16xf32>,
    %broadcast_in_dim3A_45 = arith.constant 1.000000e+00 : f32
    %broadcast_in_dim3A_46 = vector.broadcast %broadcast_in_dim3A_45 : f32 to vector<16xf32>
    %swap3A_47 = arith.constant 112 : index
    %swap3A_48 = tpu.vector_load %arg6[%swap3A_47] {strides = array<i32>} : memref<128xf32, #tpu.memory_space<vmem>>, vector<16xf32>,
    %swap3A_49 = vector.shape_cast %swap3A_48 : vector<16xf32> to vector<16xf32>
    %swap3A_50 = vector.shape_cast %broadcast_in_dim3A_46 : vector<16xf32> to vector<16xf32>
    tpu.vector_store %arg6[%swap3A_47], %swap3A_50 {strides = array<i32>} : memref<128xf32, #tpu.memory_space<vmem>>, vector<16xf32>,
    %mul3A_51 = arith.constant 80 : i32
    %mul3A_52 = arith.muli %add3A, %mul3A_51 : i32
    "tpu.region"() ({
      %run_scoped3A = tpu.sem_alloc : memref<!tpu.dma_semaphore, #tpu.memory_space<semaphore_mem>>
      %dma_start3A = arith.constant 0 : i32
      %dma_start3A_63 = tpu.memref_slice %arg2[%mul3A_52, %dma_start3A] : memref<2560x128xi32, #tpu.memory_space<hbm>> -> memref<80x128xi32, #tpu.memory_space<hbm>>
      %dma_start3A_64 = arith.constant 0 : i32
      %dma_start3A_65 = tpu.memref_slice %arg2[%mul3A_52, %dma_start3A_64] : memref<2560x128xi32, #tpu.memory_space<hbm>> -> memref<80x128xi32, #tpu.memory_space<hbm>>
      tpu.enqueue_dma source(%dma_start3A_65 : memref<80x128xi32, #tpu.memory_space<hbm>>) target(%arg5 : memref<80x128xi32, #tpu.memory_space<vmem>>) target_semaphore(%run_scoped3A : memref<!tpu.dma_semaphore, #tpu.memory_space<semaphore_mem>>)
      %dma_wait3A = arith.constant 0 : i32
      %dma_wait3A_66 = tpu.memref_slice %arg2[%mul3A_52, %dma_wait3A] : memref<2560x128xi32, #tpu.memory_space<hbm>> -> memref<80x128xi32, #tpu.memory_space<hbm>>
      %dma_wait3A_67 = arith.constant 0 : i32
      %dma_wait3A_68 = tpu.memref_slice %arg2[%mul3A_52, %dma_wait3A_67] : memref<2560x128xi32, #tpu.memory_space<hbm>> -> memref<80x128xi32, #tpu.memory_space<hbm>>
      tpu.wait_dma2 semaphore(%run_scoped3A : memref<!tpu.dma_semaphore, #tpu.memory_space<semaphore_mem>>) src(%dma_wait3A_68 : memref<80x128xi32, #tpu.memory_space<hbm>>) dst(%arg5 : memref<80x128xi32, #tpu.memory_space<vmem>>)
      tpu.yield
    }) : () -> ()
    %barrier3A = arith.constant 0 : index
    tpu.barrier barrier_id(%barrier3A)
    %scan3A = arith.constant 0 : i32
    %scan3A_53 = arith.constant 0 : i32
    %scan3A_54 = arith.constant 80 : i32
    %scan3A_55 = arith.addi %scan3A_53, %scan3A_54 : i32
    %scan3A_56 = arith.constant 1 : i32
    scf.for %scan3A_63 = %scan3A_53 to %scan3A_55 step %scan3A_56  : i32 {
      "tpu.region"() ({
        %run_scoped3A = tpu.sem_alloc : memref<!tpu.dma_semaphore, #tpu.memory_space<semaphore_mem>>
        %dma_start3A = arith.constant 0 : i32
        %dma_start3A_64 = tpu.memref_slice %arg5[%scan3A_63, %dma_start3A] : memref<80x128xi32, #tpu.memory_space<vmem>> -> memref<1x128xi32, #tpu.memory_space<vmem>>
        %dma_start3A_65 = tpu.memref_squeeze %dma_start3A_64 : memref<1x128xi32, #tpu.memory_space<vmem>> -> memref<128xi32, #tpu.memory_space<vmem>>
        %dma_start3A_66 = arith.constant 0 : i32
        %dma_start3A_67 = tpu.memref_slice %arg7[%dma_start3A_66] : memref<10240xf32, #tpu.memory_space<vmem_shared>> -> memref<10240xf32, #tpu.memory_space<vmem_shared>>
        tpu.enqueue_indirect_dma source(%arg6 : memref<128xf32, #tpu.memory_space<vmem>>) target(%dma_start3A_67 : memref<10240xf32, #tpu.memory_space<vmem_shared>>) offsets(%dma_start3A_65 : memref<128xi32, #tpu.memory_space<vmem>>) semaphore(%run_scoped3A : memref<!tpu.dma_semaphore, #tpu.memory_space<semaphore_mem>>) {add = true}
        %dma_wait3A = arith.constant 0 : i32
        %dma_wait3A_68 = tpu.memref_slice %arg5[%scan3A_63, %dma_wait3A] : memref<80x128xi32, #tpu.memory_space<vmem>> -> memref<1x128xi32, #tpu.memory_space<vmem>>
        %dma_wait3A_69 = tpu.memref_squeeze %dma_wait3A_68 : memref<1x128xi32, #tpu.memory_space<vmem>> -> memref<128xi32, #tpu.memory_space<vmem>>
        %dma_wait3A_70 = arith.constant 0 : i32
        %dma_wait3A_71 = tpu.memref_slice %arg7[%dma_wait3A_70] : memref<10240xf32, #tpu.memory_space<vmem_shared>> -> memref<10240xf32, #tpu.memory_space<vmem_shared>>
        tpu.wait_indirect_dma semaphore(%run_scoped3A : memref<!tpu.dma_semaphore, #tpu.memory_space<semaphore_mem>>) src(%arg6 : memref<128xf32, #tpu.memory_space<vmem>>) dst(%dma_wait3A_71 : memref<10240xf32, #tpu.memory_space<vmem_shared>>)
        tpu.yield
      }) : () -> ()
    }
    %scan3A_57 = arith.constant 80 : i32
    %barrier3A_58 = arith.constant 0 : index
    tpu.barrier barrier_id(%barrier3A_58)
    %mul3A_59 = arith.constant 640 : i32
    %mul3A_60 = arith.muli %arg1, %mul3A_59 : i32
    %mul3A_61 = arith.constant 640 : i32
    %mul3A_62 = arith.muli %arg1, %mul3A_61 : i32
    "tpu.region"() ({
      %run_scoped3A = tpu.sem_alloc : memref<!tpu.dma_semaphore, #tpu.memory_space<semaphore_mem>>
      %dma_start3A = tpu.memref_slice %arg4[%arg0, %mul3A_62] : memref<2x10240xf32, #tpu.memory_space<hbm>> -> memref<1x640xf32, #tpu.memory_space<hbm>>
      %dma_start3A_63 = tpu.memref_squeeze %dma_start3A : memref<1x640xf32, #tpu.memory_space<hbm>> -> memref<640xf32, #tpu.memory_space<hbm>>
      %dma_start3A_64 = tpu.memref_slice %arg7[%mul3A_60] : memref<10240xf32, #tpu.memory_space<vmem_shared>> -> memref<640xf32, #tpu.memory_space<vmem_shared>>
      tpu.enqueue_dma source(%dma_start3A_64 : memref<640xf32, #tpu.memory_space<vmem_shared>>) target(%dma_start3A_63 : memref<640xf32, #tpu.memory_space<hbm>>) target_semaphore(%run_scoped3A : memref<!tpu.dma_semaphore, #tpu.memory_space<semaphore_mem>>)
      %dma_wait3A = tpu.memref_slice %arg4[%arg0, %mul3A_62] : memref<2x10240xf32, #tpu.memory_space<hbm>> -> memref<1x640xf32, #tpu.memory_space<hbm>>
      %dma_wait3A_65 = tpu.memref_squeeze %dma_wait3A : memref<1x640xf32, #tpu.memory_space<hbm>> -> memref<640xf32, #tpu.memory_space<hbm>>
      %dma_wait3A_66 = tpu.memref_slice %arg7[%mul3A_60] : memref<10240xf32, #tpu.memory_space<vmem_shared>> -> memref<640xf32, #tpu.memory_space<vmem_shared>>
      tpu.wait_dma2 semaphore(%run_scoped3A : memref<!tpu.dma_semaphore, #tpu.memory_space<semaphore_mem>>) src(%dma_wait3A_66 : memref<640xf32, #tpu.memory_space<vmem_shared>>) dst(%dma_wait3A_65 : memref<640xf32, #tpu.memory_space<hbm>>)
      tpu.yield
    }) : () -> ()
    return
  }
}

#map = affine_map<(d0, d1) -> (0, 0)>
#map1 = affine_map<(d0, d1) -> (0, 0, 0)>
module attributes {stable_mosaic.version = 14 : i64} {
  func.func @_agg(%arg0: i32, %arg1: i32, %arg2: memref<10240x128xf32, #tpu.memory_space<hbm>>, %arg3: memref<2560x128xi32, #tpu.memory_space<hbm>>, %arg4: memref<2560x128xi32, #tpu.memory_space<hbm>>, %arg5: memref<10240x128xf32, #tpu.memory_space<hbm>>, %arg6: memref<2x10240x128xf32, #tpu.memory_space<hbm>>, %arg7: memref<40x128xi32, #tpu.memory_space<vmem>>, %arg8: memref<40x128xi32, #tpu.memory_space<vmem>>, %arg9: memref<2x128x128xf32, #tpu.memory_space<vmem>>, %arg10: memref<10240x128xf32, #tpu.memory_space<vmem_shared>>, %arg11: memref<!tpu.dma_semaphore, #tpu.memory_space<semaphore_mem>>, %arg12: memref<!tpu.dma_semaphore, #tpu.memory_space<semaphore_mem>>) attributes {dimension_semantics = [#tpu.dimension_semantics<core_parallel>, #tpu.dimension_semantics<subcore_parallel>], iteration_bounds = array<i64: 2, 16>, scalar_prefetch = 0 : i64, scratch_operands = 6 : i64, tpu.core_type = #tpu.core_type<sc_vector_subcore>, window_params = [{transform_indices = #map}, {transform_indices = #map}, {transform_indices = #map}, {transform_indices = #map}, {transform_indices = #map1}]} {
    %mul3A = arith.constant 16 : i32
    %mul3A_0 = arith.muli %arg0, %mul3A : i32
    %add3A = arith.addi %mul3A_0, %arg1 : i32
    %mul3A_1 = arith.constant 80 : i32
    %mul3A_2 = arith.muli %add3A, %mul3A_1 : i32
    %mul3A_3 = arith.constant 640 : i32
    %mul3A_4 = arith.muli %arg1, %mul3A_3 : i32
    %mul3A_5 = arith.constant 640 : i32
    %mul3A_6 = arith.muli %arg1, %mul3A_5 : i32
    "tpu.region"() ({
      %run_scoped3A = tpu.sem_alloc : memref<!tpu.dma_semaphore, #tpu.memory_space<semaphore_mem>>
      %dma_start3A = arith.constant 0 : i32
      %dma_start3A_17 = tpu.memref_slice %arg10[%mul3A_6, %dma_start3A] : memref<10240x128xf32, #tpu.memory_space<vmem_shared>> -> memref<640x128xf32, #tpu.memory_space<vmem_shared>>
      %dma_start3A_18 = arith.constant 0 : i32
      %dma_start3A_19 = tpu.memref_slice %arg5[%mul3A_4, %dma_start3A_18] : memref<10240x128xf32, #tpu.memory_space<hbm>> -> memref<640x128xf32, #tpu.memory_space<hbm>>
      tpu.enqueue_dma source(%dma_start3A_19 : memref<640x128xf32, #tpu.memory_space<hbm>>) target(%dma_start3A_17 : memref<640x128xf32, #tpu.memory_space<vmem_shared>>) target_semaphore(%run_scoped3A : memref<!tpu.dma_semaphore, #tpu.memory_space<semaphore_mem>>)
      %dma_wait3A = arith.constant 0 : i32
      %dma_wait3A_20 = tpu.memref_slice %arg10[%mul3A_6, %dma_wait3A] : memref<10240x128xf32, #tpu.memory_space<vmem_shared>> -> memref<640x128xf32, #tpu.memory_space<vmem_shared>>
      %dma_wait3A_21 = arith.constant 0 : i32
      %dma_wait3A_22 = tpu.memref_slice %arg5[%mul3A_4, %dma_wait3A_21] : memref<10240x128xf32, #tpu.memory_space<hbm>> -> memref<640x128xf32, #tpu.memory_space<hbm>>
      tpu.wait_dma2 semaphore(%run_scoped3A : memref<!tpu.dma_semaphore, #tpu.memory_space<semaphore_mem>>) src(%dma_wait3A_22 : memref<640x128xf32, #tpu.memory_space<hbm>>) dst(%dma_wait3A_20 : memref<640x128xf32, #tpu.memory_space<vmem_shared>>)
      tpu.yield
    }) : () -> ()
    %barrier3A = arith.constant 0 : index
    tpu.barrier barrier_id(%barrier3A)
    %scan3A = arith.constant 0 : i32
    %scan3A_7 = arith.constant 0 : i32
    %scan3A_8 = arith.constant 2 : i32
    %scan3A_9 = arith.addi %scan3A_7, %scan3A_8 : i32
    %scan3A_10 = arith.constant 1 : i32
    scf.for %scan3A_17 = %scan3A_7 to %scan3A_9 step %scan3A_10  : i32 {
      %mul3A_18 = arith.constant 40 : i32
      %mul3A_19 = arith.muli %scan3A_17, %mul3A_18 : i32
      %add3A_20 = arith.addi %mul3A_2, %mul3A_19 : i32
      %multiple_of3A = tpu.assume_multiple %add3A_20, 8 : i32
      "tpu.region"() ({
        %run_scoped3A = tpu.sem_alloc : memref<!tpu.dma_semaphore, #tpu.memory_space<semaphore_mem>>
        %dma_start3A_49 = arith.constant 0 : i32
        %dma_start3A_50 = tpu.memref_slice %arg3[%multiple_of3A, %dma_start3A_49] : memref<2560x128xi32, #tpu.memory_space<hbm>> -> memref<40x128xi32, #tpu.memory_space<hbm>>
        %dma_start3A_51 = arith.constant 0 : i32
        %dma_start3A_52 = tpu.memref_slice %arg3[%multiple_of3A, %dma_start3A_51] : memref<2560x128xi32, #tpu.memory_space<hbm>> -> memref<40x128xi32, #tpu.memory_space<hbm>>
        tpu.enqueue_dma source(%dma_start3A_52 : memref<40x128xi32, #tpu.memory_space<hbm>>) target(%arg7 : memref<40x128xi32, #tpu.memory_space<vmem>>) target_semaphore(%run_scoped3A : memref<!tpu.dma_semaphore, #tpu.memory_space<semaphore_mem>>)
        %dma_wait3A_53 = arith.constant 0 : i32
        %dma_wait3A_54 = tpu.memref_slice %arg3[%multiple_of3A, %dma_wait3A_53] : memref<2560x128xi32, #tpu.memory_space<hbm>> -> memref<40x128xi32, #tpu.memory_space<hbm>>
        %dma_wait3A_55 = arith.constant 0 : i32
        %dma_wait3A_56 = tpu.memref_slice %arg3[%multiple_of3A, %dma_wait3A_55] : memref<2560x128xi32, #tpu.memory_space<hbm>> -> memref<40x128xi32, #tpu.memory_space<hbm>>
        tpu.wait_dma2 semaphore(%run_scoped3A : memref<!tpu.dma_semaphore, #tpu.memory_space<semaphore_mem>>) src(%dma_wait3A_56 : memref<40x128xi32, #tpu.memory_space<hbm>>) dst(%arg7 : memref<40x128xi32, #tpu.memory_space<vmem>>)
        tpu.yield
      }) : () -> ()
      "tpu.region"() ({
        %run_scoped3A = tpu.sem_alloc : memref<!tpu.dma_semaphore, #tpu.memory_space<semaphore_mem>>
        %dma_start3A_49 = arith.constant 0 : i32
        %dma_start3A_50 = tpu.memref_slice %arg4[%multiple_of3A, %dma_start3A_49] : memref<2560x128xi32, #tpu.memory_space<hbm>> -> memref<40x128xi32, #tpu.memory_space<hbm>>
        %dma_start3A_51 = arith.constant 0 : i32
        %dma_start3A_52 = tpu.memref_slice %arg4[%multiple_of3A, %dma_start3A_51] : memref<2560x128xi32, #tpu.memory_space<hbm>> -> memref<40x128xi32, #tpu.memory_space<hbm>>
        tpu.enqueue_dma source(%dma_start3A_52 : memref<40x128xi32, #tpu.memory_space<hbm>>) target(%arg8 : memref<40x128xi32, #tpu.memory_space<vmem>>) target_semaphore(%run_scoped3A : memref<!tpu.dma_semaphore, #tpu.memory_space<semaphore_mem>>)
        %dma_wait3A_53 = arith.constant 0 : i32
        %dma_wait3A_54 = tpu.memref_slice %arg4[%multiple_of3A, %dma_wait3A_53] : memref<2560x128xi32, #tpu.memory_space<hbm>> -> memref<40x128xi32, #tpu.memory_space<hbm>>
        %dma_wait3A_55 = arith.constant 0 : i32
        %dma_wait3A_56 = tpu.memref_slice %arg4[%multiple_of3A, %dma_wait3A_55] : memref<2560x128xi32, #tpu.memory_space<hbm>> -> memref<40x128xi32, #tpu.memory_space<hbm>>
        tpu.wait_dma2 semaphore(%run_scoped3A : memref<!tpu.dma_semaphore, #tpu.memory_space<semaphore_mem>>) src(%dma_wait3A_56 : memref<40x128xi32, #tpu.memory_space<hbm>>) dst(%arg8 : memref<40x128xi32, #tpu.memory_space<vmem>>)
        tpu.yield
      }) : () -> ()
      %dma_start3A = arith.constant 0 : i32
      %dma_start3A_21 = arith.constant 0 : i32
      %dma_start3A_22 = arith.constant 0 : i32
      %dma_start3A_23 = arith.constant 0 : i32
      %dma_start3A_24 = tpu.memref_slice %arg9[%dma_start3A_21, %dma_start3A_22, %dma_start3A_23] : memref<2x128x128xf32, #tpu.memory_space<vmem>> -> memref<1x128x128xf32, #tpu.memory_space<vmem>>
      %dma_start3A_25 = tpu.memref_squeeze %dma_start3A_24 : memref<1x128x128xf32, #tpu.memory_space<vmem>> -> memref<128x128xf32, #tpu.memory_space<vmem>>
      %dma_start3A_26 = arith.constant 0 : i32
      %dma_start3A_27 = tpu.memref_slice %arg7[%dma_start3A, %dma_start3A_26] : memref<40x128xi32, #tpu.memory_space<vmem>> -> memref<1x128xi32, #tpu.memory_space<vmem>>
      %dma_start3A_28 = tpu.memref_squeeze %dma_start3A_27 : memref<1x128xi32, #tpu.memory_space<vmem>> -> memref<128xi32, #tpu.memory_space<vmem>>
      %dma_start3A_29 = arith.constant 0 : i32
      %dma_start3A_30 = arith.constant 0 : i32
      %dma_start3A_31 = tpu.memref_slice %arg2[%dma_start3A_29, %dma_start3A_30] : memref<10240x128xf32, #tpu.memory_space<hbm>> -> memref<10240x128xf32, #tpu.memory_space<hbm>>
      tpu.enqueue_indirect_dma source(%dma_start3A_31 : memref<10240x128xf32, #tpu.memory_space<hbm>>) target(%dma_start3A_25 : memref<128x128xf32, #tpu.memory_space<vmem>>) offsets(%dma_start3A_28 : memref<128xi32, #tpu.memory_space<vmem>>) semaphore(%arg11 : memref<!tpu.dma_semaphore, #tpu.memory_space<semaphore_mem>>)
      %scan3A_32 = arith.constant 0 : i32
      %scan3A_33 = arith.constant 0 : i32
      %scan3A_34 = arith.constant 40 : i32
      %scan3A_35 = arith.addi %scan3A_33, %scan3A_34 : i32
      %scan3A_36 = arith.constant 1 : i32
      scf.for %scan3A_49 = %scan3A_33 to %scan3A_35 step %scan3A_36  : i32 {
        %rem3A = arith.constant 2 : i32
        %rem3A_50 = arith.remsi %scan3A_49, %rem3A : i32
        %sub3A = arith.constant 1 : i32
        %sub3A_51 = arith.subi %sub3A, %rem3A_50 : i32
        %dma_wait3A_52 = arith.constant 0 : i32
        %dma_wait3A_53 = arith.constant 0 : i32
        %dma_wait3A_54 = tpu.memref_slice %arg9[%rem3A_50, %dma_wait3A_52, %dma_wait3A_53] : memref<2x128x128xf32, #tpu.memory_space<vmem>> -> memref<1x128x128xf32, #tpu.memory_space<vmem>>
        %dma_wait3A_55 = tpu.memref_squeeze %dma_wait3A_54 : memref<1x128x128xf32, #tpu.memory_space<vmem>> -> memref<128x128xf32, #tpu.memory_space<vmem>>
        %dma_wait3A_56 = arith.constant 0 : i32
        %dma_wait3A_57 = tpu.memref_slice %arg7[%scan3A_49, %dma_wait3A_56] : memref<40x128xi32, #tpu.memory_space<vmem>> -> memref<1x128xi32, #tpu.memory_space<vmem>>
        %dma_wait3A_58 = tpu.memref_squeeze %dma_wait3A_57 : memref<1x128xi32, #tpu.memory_space<vmem>> -> memref<128xi32, #tpu.memory_space<vmem>>
        %dma_wait3A_59 = arith.constant 0 : i32
        %dma_wait3A_60 = arith.constant 0 : i32
        %dma_wait3A_61 = tpu.memref_slice %arg2[%dma_wait3A_59, %dma_wait3A_60] : memref<10240x128xf32, #tpu.memory_space<hbm>> -> memref<10240x128xf32, #tpu.memory_space<hbm>>
        tpu.wait_indirect_dma semaphore(%arg11 : memref<!tpu.dma_semaphore, #tpu.memory_space<semaphore_mem>>) src(%dma_wait3A_61 : memref<10240x128xf32, #tpu.memory_space<hbm>>) dst(%dma_wait3A_55 : memref<128x128xf32, #tpu.memory_space<vmem>>)
        %ge3A = arith.constant 1 : i32
        %ge3A_62 = arith.cmpi sge, %scan3A_49, %ge3A : i32
        %convert_element_type3A = arith.extui %ge3A_62 : i1 to i32
        %cond3A = arith.constant 0 : i32
        %cond3A_63 = arith.cmpi ne, %convert_element_type3A, %cond3A : i32
        scf.if %cond3A_63 {
          %dma_wait3A_80 = arith.constant 0 : i32
          %dma_wait3A_81 = arith.constant 0 : i32
          %dma_wait3A_82 = tpu.memref_slice %arg9[%sub3A_51, %dma_wait3A_80, %dma_wait3A_81] : memref<2x128x128xf32, #tpu.memory_space<vmem>> -> memref<1x128x128xf32, #tpu.memory_space<vmem>>
          %dma_wait3A_83 = tpu.memref_squeeze %dma_wait3A_82 : memref<1x128x128xf32, #tpu.memory_space<vmem>> -> memref<128x128xf32, #tpu.memory_space<vmem>>
          %dma_wait3A_84 = arith.constant 0 : i32
          %dma_wait3A_85 = tpu.memref_slice %arg8[%scan3A_49, %dma_wait3A_84] : memref<40x128xi32, #tpu.memory_space<vmem>> -> memref<1x128xi32, #tpu.memory_space<vmem>>
          %dma_wait3A_86 = tpu.memref_squeeze %dma_wait3A_85 : memref<1x128xi32, #tpu.memory_space<vmem>> -> memref<128xi32, #tpu.memory_space<vmem>>
          %dma_wait3A_87 = arith.constant 0 : i32
          %dma_wait3A_88 = arith.constant 0 : i32
          %dma_wait3A_89 = tpu.memref_slice %arg10[%dma_wait3A_87, %dma_wait3A_88] : memref<10240x128xf32, #tpu.memory_space<vmem_shared>> -> memref<10240x128xf32, #tpu.memory_space<vmem_shared>>
          tpu.wait_indirect_dma semaphore(%arg12 : memref<!tpu.dma_semaphore, #tpu.memory_space<semaphore_mem>>) src(%dma_wait3A_83 : memref<128x128xf32, #tpu.memory_space<vmem>>) dst(%dma_wait3A_89 : memref<10240x128xf32, #tpu.memory_space<vmem_shared>>)
        } else {
        }
        %add3A_64 = arith.constant 1 : i32
        %add3A_65 = arith.addi %scan3A_49, %add3A_64 : i32
        %lt3A = arith.constant 40 : i32
        %lt3A_66 = arith.cmpi slt, %add3A_65, %lt3A : i32
        %convert_element_type3A_67 = arith.extui %lt3A_66 : i1 to i32
        %cond3A_68 = arith.constant 0 : i32
        %cond3A_69 = arith.cmpi ne, %convert_element_type3A_67, %cond3A_68 : i32
        scf.if %cond3A_69 {
          %add3A_80 = arith.constant 1 : i32
          %add3A_81 = arith.addi %scan3A_49, %add3A_80 : i32
          %dma_start3A_82 = arith.constant 0 : i32
          %dma_start3A_83 = arith.constant 0 : i32
          %dma_start3A_84 = tpu.memref_slice %arg9[%sub3A_51, %dma_start3A_82, %dma_start3A_83] : memref<2x128x128xf32, #tpu.memory_space<vmem>> -> memref<1x128x128xf32, #tpu.memory_space<vmem>>
          %dma_start3A_85 = tpu.memref_squeeze %dma_start3A_84 : memref<1x128x128xf32, #tpu.memory_space<vmem>> -> memref<128x128xf32, #tpu.memory_space<vmem>>
          %dma_start3A_86 = arith.constant 0 : i32
          %dma_start3A_87 = tpu.memref_slice %arg7[%add3A_81, %dma_start3A_86] : memref<40x128xi32, #tpu.memory_space<vmem>> -> memref<1x128xi32, #tpu.memory_space<vmem>>
          %dma_start3A_88 = tpu.memref_squeeze %dma_start3A_87 : memref<1x128xi32, #tpu.memory_space<vmem>> -> memref<128xi32, #tpu.memory_space<vmem>>
          %dma_start3A_89 = arith.constant 0 : i32
          %dma_start3A_90 = arith.constant 0 : i32
          %dma_start3A_91 = tpu.memref_slice %arg2[%dma_start3A_89, %dma_start3A_90] : memref<10240x128xf32, #tpu.memory_space<hbm>> -> memref<10240x128xf32, #tpu.memory_space<hbm>>
          tpu.enqueue_indirect_dma source(%dma_start3A_91 : memref<10240x128xf32, #tpu.memory_space<hbm>>) target(%dma_start3A_85 : memref<128x128xf32, #tpu.memory_space<vmem>>) offsets(%dma_start3A_88 : memref<128xi32, #tpu.memory_space<vmem>>) semaphore(%arg11 : memref<!tpu.dma_semaphore, #tpu.memory_space<semaphore_mem>>)
        } else {
        }
        %dma_start3A_70 = arith.constant 0 : i32
        %dma_start3A_71 = arith.constant 0 : i32
        %dma_start3A_72 = tpu.memref_slice %arg9[%rem3A_50, %dma_start3A_70, %dma_start3A_71] : memref<2x128x128xf32, #tpu.memory_space<vmem>> -> memref<1x128x128xf32, #tpu.memory_space<vmem>>
        %dma_start3A_73 = tpu.memref_squeeze %dma_start3A_72 : memref<1x128x128xf32, #tpu.memory_space<vmem>> -> memref<128x128xf32, #tpu.memory_space<vmem>>
        %dma_start3A_74 = arith.constant 0 : i32
        %dma_start3A_75 = tpu.memref_slice %arg8[%scan3A_49, %dma_start3A_74] : memref<40x128xi32, #tpu.memory_space<vmem>> -> memref<1x128xi32, #tpu.memory_space<vmem>>
        %dma_start3A_76 = tpu.memref_squeeze %dma_start3A_75 : memref<1x128xi32, #tpu.memory_space<vmem>> -> memref<128xi32, #tpu.memory_space<vmem>>
        %dma_start3A_77 = arith.constant 0 : i32
        %dma_start3A_78 = arith.constant 0 : i32
        %dma_start3A_79 = tpu.memref_slice %arg10[%dma_start3A_77, %dma_start3A_78] : memref<10240x128xf32, #tpu.memory_space<vmem_shared>> -> memref<10240x128xf32, #tpu.memory_space<vmem_shared>>
        tpu.enqueue_indirect_dma source(%dma_start3A_73 : memref<128x128xf32, #tpu.memory_space<vmem>>) target(%dma_start3A_79 : memref<10240x128xf32, #tpu.memory_space<vmem_shared>>) offsets(%dma_start3A_76 : memref<128xi32, #tpu.memory_space<vmem>>) semaphore(%arg12 : memref<!tpu.dma_semaphore, #tpu.memory_space<semaphore_mem>>) {add = true}
      }
      %scan3A_37 = arith.constant 40 : i32
      %dma_wait3A = arith.constant 0 : i32
      %dma_wait3A_38 = arith.constant 0 : i32
      %dma_wait3A_39 = arith.constant 0 : i32
      %dma_wait3A_40 = arith.constant 0 : i32
      %dma_wait3A_41 = tpu.memref_slice %arg9[%dma_wait3A, %dma_wait3A_39, %dma_wait3A_40] : memref<2x128x128xf32, #tpu.memory_space<vmem>> -> memref<1x128x128xf32, #tpu.memory_space<vmem>>
      %dma_wait3A_42 = tpu.memref_squeeze %dma_wait3A_41 : memref<1x128x128xf32, #tpu.memory_space<vmem>> -> memref<128x128xf32, #tpu.memory_space<vmem>>
      %dma_wait3A_43 = arith.constant 0 : i32
      %dma_wait3A_44 = tpu.memref_slice %arg8[%dma_wait3A_38, %dma_wait3A_43] : memref<40x128xi32, #tpu.memory_space<vmem>> -> memref<1x128xi32, #tpu.memory_space<vmem>>
      %dma_wait3A_45 = tpu.memref_squeeze %dma_wait3A_44 : memref<1x128xi32, #tpu.memory_space<vmem>> -> memref<128xi32, #tpu.memory_space<vmem>>
      %dma_wait3A_46 = arith.constant 0 : i32
      %dma_wait3A_47 = arith.constant 0 : i32
      %dma_wait3A_48 = tpu.memref_slice %arg10[%dma_wait3A_46, %dma_wait3A_47] : memref<10240x128xf32, #tpu.memory_space<vmem_shared>> -> memref<10240x128xf32, #tpu.memory_space<vmem_shared>>
      tpu.wait_indirect_dma semaphore(%arg12 : memref<!tpu.dma_semaphore, #tpu.memory_space<semaphore_mem>>) src(%dma_wait3A_42 : memref<128x128xf32, #tpu.memory_space<vmem>>) dst(%dma_wait3A_48 : memref<10240x128xf32, #tpu.memory_space<vmem_shared>>)
    }
    %scan3A_11 = arith.constant 2 : i32
    %barrier3A_12 = arith.constant 0 : index
    tpu.barrier barrier_id(%barrier3A_12)
    %mul3A_13 = arith.constant 640 : i32
    %mul3A_14 = arith.muli %arg1, %mul3A_13 : i32
    %mul3A_15 = arith.constant 640 : i32
    %mul3A_16 = arith.muli %arg1, %mul3A_15 : i32
    "tpu.region"() ({
      %run_scoped3A = tpu.sem_alloc : memref<!tpu.dma_semaphore, #tpu.memory_space<semaphore_mem>>
      %dma_start3A = arith.constant 0 : i32
      %dma_start3A_17 = tpu.memref_slice %arg6[%arg0, %mul3A_16, %dma_start3A] : memref<2x10240x128xf32, #tpu.memory_space<hbm>> -> memref<1x640x128xf32, #tpu.memory_space<hbm>>
      %dma_start3A_18 = tpu.memref_squeeze %dma_start3A_17 : memref<1x640x128xf32, #tpu.memory_space<hbm>> -> memref<640x128xf32, #tpu.memory_space<hbm>>
      %dma_start3A_19 = arith.constant 0 : i32
      %dma_start3A_20 = tpu.memref_slice %arg10[%mul3A_14, %dma_start3A_19] : memref<10240x128xf32, #tpu.memory_space<vmem_shared>> -> memref<640x128xf32, #tpu.memory_space<vmem_shared>>
      tpu.enqueue_dma source(%dma_start3A_20 : memref<640x128xf32, #tpu.memory_space<vmem_shared>>) target(%dma_start3A_18 : memref<640x128xf32, #tpu.memory_space<hbm>>) target_semaphore(%run_scoped3A : memref<!tpu.dma_semaphore, #tpu.memory_space<semaphore_mem>>)
      %dma_wait3A = arith.constant 0 : i32
      %dma_wait3A_21 = tpu.memref_slice %arg6[%arg0, %mul3A_16, %dma_wait3A] : memref<2x10240x128xf32, #tpu.memory_space<hbm>> -> memref<1x640x128xf32, #tpu.memory_space<hbm>>
      %dma_wait3A_22 = tpu.memref_squeeze %dma_wait3A_21 : memref<1x640x128xf32, #tpu.memory_space<hbm>> -> memref<640x128xf32, #tpu.memory_space<hbm>>
      %dma_wait3A_23 = arith.constant 0 : i32
      %dma_wait3A_24 = tpu.memref_slice %arg10[%mul3A_14, %dma_wait3A_23] : memref<10240x128xf32, #tpu.memory_space<vmem_shared>> -> memref<640x128xf32, #tpu.memory_space<vmem_shared>>
      tpu.wait_dma2 semaphore(%run_scoped3A : memref<!tpu.dma_semaphore, #tpu.memory_space<semaphore_mem>>) src(%dma_wait3A_24 : memref<640x128xf32, #tpu.memory_space<vmem_shared>>) dst(%dma_wait3A_22 : memref<640x128xf32, #tpu.memory_space<hbm>>)
      tpu.yield
    }) : () -> ()
    return
  }
}

#map = affine_map<(d0, d1) -> (0, 0)>
#map1 = affine_map<(d0, d1) -> (0, 0, 0)>
module attributes {stable_mosaic.version = 14 : i64} {
  func.func @_agg(%arg0: i32, %arg1: i32, %arg2: memref<10240x128xf32, #tpu.memory_space<hbm>>, %arg3: memref<2560x128xi32, #tpu.memory_space<hbm>>, %arg4: memref<2560x128xi32, #tpu.memory_space<hbm>>, %arg5: memref<10240x128xf32, #tpu.memory_space<hbm>>, %arg6: memref<2x10240x128xf32, #tpu.memory_space<hbm>>, %arg7: memref<40x128xi32, #tpu.memory_space<vmem>>, %arg8: memref<40x128xi32, #tpu.memory_space<vmem>>, %arg9: memref<2x128x128xf32, #tpu.memory_space<vmem>>, %arg10: memref<10240x128xf32, #tpu.memory_space<vmem_shared>>, %arg11: memref<!tpu.dma_semaphore, #tpu.memory_space<semaphore_mem>>, %arg12: memref<!tpu.dma_semaphore, #tpu.memory_space<semaphore_mem>>) attributes {dimension_semantics = [#tpu.dimension_semantics<core_parallel>, #tpu.dimension_semantics<subcore_parallel>], iteration_bounds = array<i64: 2, 16>, scalar_prefetch = 0 : i64, scratch_operands = 6 : i64, tpu.core_type = #tpu.core_type<sc_vector_subcore>, window_params = [{transform_indices = #map}, {transform_indices = #map}, {transform_indices = #map}, {transform_indices = #map}, {transform_indices = #map1}]} {
    %mul3A = arith.constant 16 : i32
    %mul3A_0 = arith.muli %arg0, %mul3A : i32
    %add3A = arith.addi %mul3A_0, %arg1 : i32
    %mul3A_1 = arith.constant 80 : i32
    %mul3A_2 = arith.muli %add3A, %mul3A_1 : i32
    %mul3A_3 = arith.constant 640 : i32
    %mul3A_4 = arith.muli %arg1, %mul3A_3 : i32
    %mul3A_5 = arith.constant 640 : i32
    %mul3A_6 = arith.muli %arg1, %mul3A_5 : i32
    "tpu.region"() ({
      %run_scoped3A = tpu.sem_alloc : memref<!tpu.dma_semaphore, #tpu.memory_space<semaphore_mem>>
      %dma_start3A = arith.constant 0 : i32
      %dma_start3A_17 = tpu.memref_slice %arg10[%mul3A_6, %dma_start3A] : memref<10240x128xf32, #tpu.memory_space<vmem_shared>> -> memref<640x128xf32, #tpu.memory_space<vmem_shared>>
      %dma_start3A_18 = arith.constant 0 : i32
      %dma_start3A_19 = tpu.memref_slice %arg5[%mul3A_4, %dma_start3A_18] : memref<10240x128xf32, #tpu.memory_space<hbm>> -> memref<640x128xf32, #tpu.memory_space<hbm>>
      tpu.enqueue_dma source(%dma_start3A_19 : memref<640x128xf32, #tpu.memory_space<hbm>>) target(%dma_start3A_17 : memref<640x128xf32, #tpu.memory_space<vmem_shared>>) target_semaphore(%run_scoped3A : memref<!tpu.dma_semaphore, #tpu.memory_space<semaphore_mem>>)
      %dma_wait3A = arith.constant 0 : i32
      %dma_wait3A_20 = tpu.memref_slice %arg10[%mul3A_6, %dma_wait3A] : memref<10240x128xf32, #tpu.memory_space<vmem_shared>> -> memref<640x128xf32, #tpu.memory_space<vmem_shared>>
      %dma_wait3A_21 = arith.constant 0 : i32
      %dma_wait3A_22 = tpu.memref_slice %arg5[%mul3A_4, %dma_wait3A_21] : memref<10240x128xf32, #tpu.memory_space<hbm>> -> memref<640x128xf32, #tpu.memory_space<hbm>>
      tpu.wait_dma2 semaphore(%run_scoped3A : memref<!tpu.dma_semaphore, #tpu.memory_space<semaphore_mem>>) src(%dma_wait3A_22 : memref<640x128xf32, #tpu.memory_space<hbm>>) dst(%dma_wait3A_20 : memref<640x128xf32, #tpu.memory_space<vmem_shared>>)
      tpu.yield
    }) : () -> ()
    %barrier3A = arith.constant 0 : index
    tpu.barrier barrier_id(%barrier3A)
    %scan3A = arith.constant 0 : i32
    %scan3A_7 = arith.constant 0 : i32
    %scan3A_8 = arith.constant 2 : i32
    %scan3A_9 = arith.addi %scan3A_7, %scan3A_8 : i32
    %scan3A_10 = arith.constant 1 : i32
    scf.for %scan3A_17 = %scan3A_7 to %scan3A_9 step %scan3A_10  : i32 {
      %mul3A_18 = arith.constant 40 : i32
      %mul3A_19 = arith.muli %scan3A_17, %mul3A_18 : i32
      %add3A_20 = arith.addi %mul3A_2, %mul3A_19 : i32
      %multiple_of3A = tpu.assume_multiple %add3A_20, 8 : i32
      "tpu.region"() ({
        %run_scoped3A = tpu.sem_alloc : memref<!tpu.dma_semaphore, #tpu.memory_space<semaphore_mem>>
        %dma_start3A_49 = arith.constant 0 : i32
        %dma_start3A_50 = tpu.memref_slice %arg3[%multiple_of3A, %dma_start3A_49] : memref<2560x128xi32, #tpu.memory_space<hbm>> -> memref<40x128xi32, #tpu.memory_space<hbm>>
        %dma_start3A_51 = arith.constant 0 : i32
        %dma_start3A_52 = tpu.memref_slice %arg3[%multiple_of3A, %dma_start3A_51] : memref<2560x128xi32, #tpu.memory_space<hbm>> -> memref<40x128xi32, #tpu.memory_space<hbm>>
        tpu.enqueue_dma source(%dma_start3A_52 : memref<40x128xi32, #tpu.memory_space<hbm>>) target(%arg7 : memref<40x128xi32, #tpu.memory_space<vmem>>) target_semaphore(%run_scoped3A : memref<!tpu.dma_semaphore, #tpu.memory_space<semaphore_mem>>)
        %dma_wait3A_53 = arith.constant 0 : i32
        %dma_wait3A_54 = tpu.memref_slice %arg3[%multiple_of3A, %dma_wait3A_53] : memref<2560x128xi32, #tpu.memory_space<hbm>> -> memref<40x128xi32, #tpu.memory_space<hbm>>
        %dma_wait3A_55 = arith.constant 0 : i32
        %dma_wait3A_56 = tpu.memref_slice %arg3[%multiple_of3A, %dma_wait3A_55] : memref<2560x128xi32, #tpu.memory_space<hbm>> -> memref<40x128xi32, #tpu.memory_space<hbm>>
        tpu.wait_dma2 semaphore(%run_scoped3A : memref<!tpu.dma_semaphore, #tpu.memory_space<semaphore_mem>>) src(%dma_wait3A_56 : memref<40x128xi32, #tpu.memory_space<hbm>>) dst(%arg7 : memref<40x128xi32, #tpu.memory_space<vmem>>)
        tpu.yield
      }) : () -> ()
      "tpu.region"() ({
        %run_scoped3A = tpu.sem_alloc : memref<!tpu.dma_semaphore, #tpu.memory_space<semaphore_mem>>
        %dma_start3A_49 = arith.constant 0 : i32
        %dma_start3A_50 = tpu.memref_slice %arg4[%multiple_of3A, %dma_start3A_49] : memref<2560x128xi32, #tpu.memory_space<hbm>> -> memref<40x128xi32, #tpu.memory_space<hbm>>
        %dma_start3A_51 = arith.constant 0 : i32
        %dma_start3A_52 = tpu.memref_slice %arg4[%multiple_of3A, %dma_start3A_51] : memref<2560x128xi32, #tpu.memory_space<hbm>> -> memref<40x128xi32, #tpu.memory_space<hbm>>
        tpu.enqueue_dma source(%dma_start3A_52 : memref<40x128xi32, #tpu.memory_space<hbm>>) target(%arg8 : memref<40x128xi32, #tpu.memory_space<vmem>>) target_semaphore(%run_scoped3A : memref<!tpu.dma_semaphore, #tpu.memory_space<semaphore_mem>>)
        %dma_wait3A_53 = arith.constant 0 : i32
        %dma_wait3A_54 = tpu.memref_slice %arg4[%multiple_of3A, %dma_wait3A_53] : memref<2560x128xi32, #tpu.memory_space<hbm>> -> memref<40x128xi32, #tpu.memory_space<hbm>>
        %dma_wait3A_55 = arith.constant 0 : i32
        %dma_wait3A_56 = tpu.memref_slice %arg4[%multiple_of3A, %dma_wait3A_55] : memref<2560x128xi32, #tpu.memory_space<hbm>> -> memref<40x128xi32, #tpu.memory_space<hbm>>
        tpu.wait_dma2 semaphore(%run_scoped3A : memref<!tpu.dma_semaphore, #tpu.memory_space<semaphore_mem>>) src(%dma_wait3A_56 : memref<40x128xi32, #tpu.memory_space<hbm>>) dst(%arg8 : memref<40x128xi32, #tpu.memory_space<vmem>>)
        tpu.yield
      }) : () -> ()
      %dma_start3A = arith.constant 0 : i32
      %dma_start3A_21 = arith.constant 0 : i32
      %dma_start3A_22 = arith.constant 0 : i32
      %dma_start3A_23 = arith.constant 0 : i32
      %dma_start3A_24 = tpu.memref_slice %arg9[%dma_start3A_21, %dma_start3A_22, %dma_start3A_23] : memref<2x128x128xf32, #tpu.memory_space<vmem>> -> memref<1x128x128xf32, #tpu.memory_space<vmem>>
      %dma_start3A_25 = tpu.memref_squeeze %dma_start3A_24 : memref<1x128x128xf32, #tpu.memory_space<vmem>> -> memref<128x128xf32, #tpu.memory_space<vmem>>
      %dma_start3A_26 = arith.constant 0 : i32
      %dma_start3A_27 = tpu.memref_slice %arg7[%dma_start3A, %dma_start3A_26] : memref<40x128xi32, #tpu.memory_space<vmem>> -> memref<1x128xi32, #tpu.memory_space<vmem>>
      %dma_start3A_28 = tpu.memref_squeeze %dma_start3A_27 : memref<1x128xi32, #tpu.memory_space<vmem>> -> memref<128xi32, #tpu.memory_space<vmem>>
      %dma_start3A_29 = arith.constant 0 : i32
      %dma_start3A_30 = arith.constant 0 : i32
      %dma_start3A_31 = tpu.memref_slice %arg2[%dma_start3A_29, %dma_start3A_30] : memref<10240x128xf32, #tpu.memory_space<hbm>> -> memref<10240x128xf32, #tpu.memory_space<hbm>>
      tpu.enqueue_indirect_dma source(%dma_start3A_31 : memref<10240x128xf32, #tpu.memory_space<hbm>>) target(%dma_start3A_25 : memref<128x128xf32, #tpu.memory_space<vmem>>) offsets(%dma_start3A_28 : memref<128xi32, #tpu.memory_space<vmem>>) semaphore(%arg11 : memref<!tpu.dma_semaphore, #tpu.memory_space<semaphore_mem>>)
      %scan3A_32 = arith.constant 0 : i32
      %scan3A_33 = arith.constant 0 : i32
      %scan3A_34 = arith.constant 40 : i32
      %scan3A_35 = arith.addi %scan3A_33, %scan3A_34 : i32
      %scan3A_36 = arith.constant 1 : i32
      scf.for %scan3A_49 = %scan3A_33 to %scan3A_35 step %scan3A_36  : i32 {
        %rem3A = arith.constant 2 : i32
        %rem3A_50 = arith.remsi %scan3A_49, %rem3A : i32
        %sub3A = arith.constant 1 : i32
        %sub3A_51 = arith.subi %sub3A, %rem3A_50 : i32
        %dma_wait3A_52 = arith.constant 0 : i32
        %dma_wait3A_53 = arith.constant 0 : i32
        %dma_wait3A_54 = tpu.memref_slice %arg9[%rem3A_50, %dma_wait3A_52, %dma_wait3A_53] : memref<2x128x128xf32, #tpu.memory_space<vmem>> -> memref<1x128x128xf32, #tpu.memory_space<vmem>>
        %dma_wait3A_55 = tpu.memref_squeeze %dma_wait3A_54 : memref<1x128x128xf32, #tpu.memory_space<vmem>> -> memref<128x128xf32, #tpu.memory_space<vmem>>
        %dma_wait3A_56 = arith.constant 0 : i32
        %dma_wait3A_57 = tpu.memref_slice %arg7[%scan3A_49, %dma_wait3A_56] : memref<40x128xi32, #tpu.memory_space<vmem>> -> memref<1x128xi32, #tpu.memory_space<vmem>>
        %dma_wait3A_58 = tpu.memref_squeeze %dma_wait3A_57 : memref<1x128xi32, #tpu.memory_space<vmem>> -> memref<128xi32, #tpu.memory_space<vmem>>
        %dma_wait3A_59 = arith.constant 0 : i32
        %dma_wait3A_60 = arith.constant 0 : i32
        %dma_wait3A_61 = tpu.memref_slice %arg2[%dma_wait3A_59, %dma_wait3A_60] : memref<10240x128xf32, #tpu.memory_space<hbm>> -> memref<10240x128xf32, #tpu.memory_space<hbm>>
        tpu.wait_indirect_dma semaphore(%arg11 : memref<!tpu.dma_semaphore, #tpu.memory_space<semaphore_mem>>) src(%dma_wait3A_61 : memref<10240x128xf32, #tpu.memory_space<hbm>>) dst(%dma_wait3A_55 : memref<128x128xf32, #tpu.memory_space<vmem>>)
        %ge3A = arith.constant 1 : i32
        %ge3A_62 = arith.cmpi sge, %scan3A_49, %ge3A : i32
        %convert_element_type3A = arith.extui %ge3A_62 : i1 to i32
        %cond3A = arith.constant 0 : i32
        %cond3A_63 = arith.cmpi ne, %convert_element_type3A, %cond3A : i32
        scf.if %cond3A_63 {
          %dma_wait3A_80 = arith.constant 0 : i32
          %dma_wait3A_81 = arith.constant 0 : i32
          %dma_wait3A_82 = tpu.memref_slice %arg9[%sub3A_51, %dma_wait3A_80, %dma_wait3A_81] : memref<2x128x128xf32, #tpu.memory_space<vmem>> -> memref<1x128x128xf32, #tpu.memory_space<vmem>>
          %dma_wait3A_83 = tpu.memref_squeeze %dma_wait3A_82 : memref<1x128x128xf32, #tpu.memory_space<vmem>> -> memref<128x128xf32, #tpu.memory_space<vmem>>
          %dma_wait3A_84 = arith.constant 0 : i32
          %dma_wait3A_85 = tpu.memref_slice %arg8[%scan3A_49, %dma_wait3A_84] : memref<40x128xi32, #tpu.memory_space<vmem>> -> memref<1x128xi32, #tpu.memory_space<vmem>>
          %dma_wait3A_86 = tpu.memref_squeeze %dma_wait3A_85 : memref<1x128xi32, #tpu.memory_space<vmem>> -> memref<128xi32, #tpu.memory_space<vmem>>
          %dma_wait3A_87 = arith.constant 0 : i32
          %dma_wait3A_88 = arith.constant 0 : i32
          %dma_wait3A_89 = tpu.memref_slice %arg10[%dma_wait3A_87, %dma_wait3A_88] : memref<10240x128xf32, #tpu.memory_space<vmem_shared>> -> memref<10240x128xf32, #tpu.memory_space<vmem_shared>>
          tpu.wait_indirect_dma semaphore(%arg12 : memref<!tpu.dma_semaphore, #tpu.memory_space<semaphore_mem>>) src(%dma_wait3A_83 : memref<128x128xf32, #tpu.memory_space<vmem>>) dst(%dma_wait3A_89 : memref<10240x128xf32, #tpu.memory_space<vmem_shared>>)
        } else {
        }
        %add3A_64 = arith.constant 1 : i32
        %add3A_65 = arith.addi %scan3A_49, %add3A_64 : i32
        %lt3A = arith.constant 40 : i32
        %lt3A_66 = arith.cmpi slt, %add3A_65, %lt3A : i32
        %convert_element_type3A_67 = arith.extui %lt3A_66 : i1 to i32
        %cond3A_68 = arith.constant 0 : i32
        %cond3A_69 = arith.cmpi ne, %convert_element_type3A_67, %cond3A_68 : i32
        scf.if %cond3A_69 {
          %add3A_80 = arith.constant 1 : i32
          %add3A_81 = arith.addi %scan3A_49, %add3A_80 : i32
          %dma_start3A_82 = arith.constant 0 : i32
          %dma_start3A_83 = arith.constant 0 : i32
          %dma_start3A_84 = tpu.memref_slice %arg9[%sub3A_51, %dma_start3A_82, %dma_start3A_83] : memref<2x128x128xf32, #tpu.memory_space<vmem>> -> memref<1x128x128xf32, #tpu.memory_space<vmem>>
          %dma_start3A_85 = tpu.memref_squeeze %dma_start3A_84 : memref<1x128x128xf32, #tpu.memory_space<vmem>> -> memref<128x128xf32, #tpu.memory_space<vmem>>
          %dma_start3A_86 = arith.constant 0 : i32
          %dma_start3A_87 = tpu.memref_slice %arg7[%add3A_81, %dma_start3A_86] : memref<40x128xi32, #tpu.memory_space<vmem>> -> memref<1x128xi32, #tpu.memory_space<vmem>>
          %dma_start3A_88 = tpu.memref_squeeze %dma_start3A_87 : memref<1x128xi32, #tpu.memory_space<vmem>> -> memref<128xi32, #tpu.memory_space<vmem>>
          %dma_start3A_89 = arith.constant 0 : i32
          %dma_start3A_90 = arith.constant 0 : i32
          %dma_start3A_91 = tpu.memref_slice %arg2[%dma_start3A_89, %dma_start3A_90] : memref<10240x128xf32, #tpu.memory_space<hbm>> -> memref<10240x128xf32, #tpu.memory_space<hbm>>
          tpu.enqueue_indirect_dma source(%dma_start3A_91 : memref<10240x128xf32, #tpu.memory_space<hbm>>) target(%dma_start3A_85 : memref<128x128xf32, #tpu.memory_space<vmem>>) offsets(%dma_start3A_88 : memref<128xi32, #tpu.memory_space<vmem>>) semaphore(%arg11 : memref<!tpu.dma_semaphore, #tpu.memory_space<semaphore_mem>>)
        } else {
        }
        %dma_start3A_70 = arith.constant 0 : i32
        %dma_start3A_71 = arith.constant 0 : i32
        %dma_start3A_72 = tpu.memref_slice %arg9[%rem3A_50, %dma_start3A_70, %dma_start3A_71] : memref<2x128x128xf32, #tpu.memory_space<vmem>> -> memref<1x128x128xf32, #tpu.memory_space<vmem>>
        %dma_start3A_73 = tpu.memref_squeeze %dma_start3A_72 : memref<1x128x128xf32, #tpu.memory_space<vmem>> -> memref<128x128xf32, #tpu.memory_space<vmem>>
        %dma_start3A_74 = arith.constant 0 : i32
        %dma_start3A_75 = tpu.memref_slice %arg8[%scan3A_49, %dma_start3A_74] : memref<40x128xi32, #tpu.memory_space<vmem>> -> memref<1x128xi32, #tpu.memory_space<vmem>>
        %dma_start3A_76 = tpu.memref_squeeze %dma_start3A_75 : memref<1x128xi32, #tpu.memory_space<vmem>> -> memref<128xi32, #tpu.memory_space<vmem>>
        %dma_start3A_77 = arith.constant 0 : i32
        %dma_start3A_78 = arith.constant 0 : i32
        %dma_start3A_79 = tpu.memref_slice %arg10[%dma_start3A_77, %dma_start3A_78] : memref<10240x128xf32, #tpu.memory_space<vmem_shared>> -> memref<10240x128xf32, #tpu.memory_space<vmem_shared>>
        tpu.enqueue_indirect_dma source(%dma_start3A_73 : memref<128x128xf32, #tpu.memory_space<vmem>>) target(%dma_start3A_79 : memref<10240x128xf32, #tpu.memory_space<vmem_shared>>) offsets(%dma_start3A_76 : memref<128xi32, #tpu.memory_space<vmem>>) semaphore(%arg12 : memref<!tpu.dma_semaphore, #tpu.memory_space<semaphore_mem>>) {add = true}
      }
      %scan3A_37 = arith.constant 40 : i32
      %dma_wait3A = arith.constant 0 : i32
      %dma_wait3A_38 = arith.constant 0 : i32
      %dma_wait3A_39 = arith.constant 0 : i32
      %dma_wait3A_40 = arith.constant 0 : i32
      %dma_wait3A_41 = tpu.memref_slice %arg9[%dma_wait3A, %dma_wait3A_39, %dma_wait3A_40] : memref<2x128x128xf32, #tpu.memory_space<vmem>> -> memref<1x128x128xf32, #tpu.memory_space<vmem>>
      %dma_wait3A_42 = tpu.memref_squeeze %dma_wait3A_41 : memref<1x128x128xf32, #tpu.memory_space<vmem>> -> memref<128x128xf32, #tpu.memory_space<vmem>>
      %dma_wait3A_43 = arith.constant 0 : i32
      %dma_wait3A_44 = tpu.memref_slice %arg8[%dma_wait3A_38, %dma_wait3A_43] : memref<40x128xi32, #tpu.memory_space<vmem>> -> memref<1x128xi32, #tpu.memory_space<vmem>>
      %dma_wait3A_45 = tpu.memref_squeeze %dma_wait3A_44 : memref<1x128xi32, #tpu.memory_space<vmem>> -> memref<128xi32, #tpu.memory_space<vmem>>
      %dma_wait3A_46 = arith.constant 0 : i32
      %dma_wait3A_47 = arith.constant 0 : i32
      %dma_wait3A_48 = tpu.memref_slice %arg10[%dma_wait3A_46, %dma_wait3A_47] : memref<10240x128xf32, #tpu.memory_space<vmem_shared>> -> memref<10240x128xf32, #tpu.memory_space<vmem_shared>>
      tpu.wait_indirect_dma semaphore(%arg12 : memref<!tpu.dma_semaphore, #tpu.memory_space<semaphore_mem>>) src(%dma_wait3A_42 : memref<128x128xf32, #tpu.memory_space<vmem>>) dst(%dma_wait3A_48 : memref<10240x128xf32, #tpu.memory_space<vmem_shared>>)
    }
    %scan3A_11 = arith.constant 2 : i32
    %barrier3A_12 = arith.constant 0 : index
    tpu.barrier barrier_id(%barrier3A_12)
    %mul3A_13 = arith.constant 640 : i32
    %mul3A_14 = arith.muli %arg1, %mul3A_13 : i32
    %mul3A_15 = arith.constant 640 : i32
    %mul3A_16 = arith.muli %arg1, %mul3A_15 : i32
    "tpu.region"() ({
      %run_scoped3A = tpu.sem_alloc : memref<!tpu.dma_semaphore, #tpu.memory_space<semaphore_mem>>
      %dma_start3A = arith.constant 0 : i32
      %dma_start3A_17 = tpu.memref_slice %arg6[%arg0, %mul3A_16, %dma_start3A] : memref<2x10240x128xf32, #tpu.memory_space<hbm>> -> memref<1x640x128xf32, #tpu.memory_space<hbm>>
      %dma_start3A_18 = tpu.memref_squeeze %dma_start3A_17 : memref<1x640x128xf32, #tpu.memory_space<hbm>> -> memref<640x128xf32, #tpu.memory_space<hbm>>
      %dma_start3A_19 = arith.constant 0 : i32
      %dma_start3A_20 = tpu.memref_slice %arg10[%mul3A_14, %dma_start3A_19] : memref<10240x128xf32, #tpu.memory_space<vmem_shared>> -> memref<640x128xf32, #tpu.memory_space<vmem_shared>>
      tpu.enqueue_dma source(%dma_start3A_20 : memref<640x128xf32, #tpu.memory_space<vmem_shared>>) target(%dma_start3A_18 : memref<640x128xf32, #tpu.memory_space<hbm>>) target_semaphore(%run_scoped3A : memref<!tpu.dma_semaphore, #tpu.memory_space<semaphore_mem>>)
      %dma_wait3A = arith.constant 0 : i32
      %dma_wait3A_21 = tpu.memref_slice %arg6[%arg0, %mul3A_16, %dma_wait3A] : memref<2x10240x128xf32, #tpu.memory_space<hbm>> -> memref<1x640x128xf32, #tpu.memory_space<hbm>>
      %dma_wait3A_22 = tpu.memref_squeeze %dma_wait3A_21 : memref<1x640x128xf32, #tpu.memory_space<hbm>> -> memref<640x128xf32, #tpu.memory_space<hbm>>
      %dma_wait3A_23 = arith.constant 0 : i32
      %dma_wait3A_24 = tpu.memref_slice %arg10[%mul3A_14, %dma_wait3A_23] : memref<10240x128xf32, #tpu.memory_space<vmem_shared>> -> memref<640x128xf32, #tpu.memory_space<vmem_shared>>
      tpu.wait_dma2 semaphore(%run_scoped3A : memref<!tpu.dma_semaphore, #tpu.memory_space<semaphore_mem>>) src(%dma_wait3A_24 : memref<640x128xf32, #tpu.memory_space<vmem_shared>>) dst(%dma_wait3A_22 : memref<640x128xf32, #tpu.memory_space<hbm>>)
      tpu.yield
    }) : () -> ()
    return
  }
}

module attributes {stable_mosaic.version = 14 : i64} {
  func.func @_tc1_body(%arg0: i32, %arg1: memref<1024x2xf32, #tpu.memory_space<vmem>>, %arg2: memref<1024x128xf32, #tpu.memory_space<vmem>>, %arg3: memref<128x128xf32, #tpu.memory_space<vmem>>, %arg4: memref<1024x128xf32, #tpu.memory_space<vmem>>, %arg5: memref<1024x1xf32, #tpu.memory_space<vmem>>) attributes {dimension_semantics = [#tpu.dimension_semantics<arbitrary>], iteration_bounds = array<i64: 10>, scalar_prefetch = 0 : i64, scratch_operands = 0 : i64, tpu.core_type = #tpu.core_type<tc>, window_params = [{transform_indices = @transform_0, window_bounds = array<i64: 1024, 2>}, {transform_indices = @transform_1, window_bounds = array<i64: 1024, 128>}, {pipeline_mode = #tpu.pipeline_mode<synchronous>, transform_indices = @transform_2, window_bounds = array<i64: 128, 128>}, {transform_indices = @transform_3, window_bounds = array<i64: 1024, 128>}, {transform_indices = @transform_4, window_bounds = array<i64: 1024, 1>}]} {
    %get3A = arith.constant 0 : index
    %get3A_0 = arith.constant 0 : index
    %get3A_1 = vector.load %arg1[%get3A, %get3A_0] : memref<1024x2xf32, #tpu.memory_space<vmem>>, vector<1024x1xf32>
    %get3A_2 = arith.constant 0 : index
    %get3A_3 = arith.constant 1 : index
    %get3A_4 = vector.load %arg1[%get3A_2, %get3A_3] : memref<1024x2xf32, #tpu.memory_space<vmem>>, vector<1024x1xf32>
    %add3A = arith.addf %get3A_1, %get3A_4 : vector<1024x1xf32>
    %add3A_5 = arith.constant 1.000000e+00 : f32
    %add3A_6 = vector.broadcast %add3A_5 : f32 to vector<1024x1xf32>
    %add3A_7 = arith.addf %add3A, %add3A_6 : vector<1024x1xf32>
    %rsqrt3A = math.rsqrt %add3A_7 : vector<1024x1xf32>
    %get3A_8 = arith.constant 0 : index
    %get3A_9 = arith.constant 0 : index
    %get3A_10 = vector.load %arg2[%get3A_8, %get3A_9] : memref<1024x128xf32, #tpu.memory_space<vmem>>, vector<1024x128xf32>
    %get3A_11 = arith.constant 0 : index
    %get3A_12 = arith.constant 0 : index
    %get3A_13 = vector.load %arg3[%get3A_11, %get3A_12] : memref<128x128xf32, #tpu.memory_space<vmem>>, vector<128x128xf32>
    %dot_general3A = arith.constant dense<0.000000e+00> : vector<1024x128xf32>
    %dot_general3A_14 = tpu.matmul %get3A_10, %get3A_13, %dot_general3A {dimension_numbers = #tpu.dot_dimension_numbers<[1], [0], [0], [1], [0, 0, 1, 1], [], []>, transpose_lhs_hint = false} : vector<1024x128xf32>, vector<128x128xf32>, vector<1024x128xf32> -> vector<1024x128xf32>
    %mul3A = vector.broadcast %rsqrt3A : vector<1024x1xf32> to vector<1024x128xf32>
    %mul3A_15 = arith.mulf %dot_general3A_14, %mul3A : vector<1024x128xf32>
    %swap3A = arith.constant 0 : index
    %swap3A_16 = arith.constant 0 : index
    %swap3A_17 = vector.load %arg4[%swap3A, %swap3A_16] : memref<1024x128xf32, #tpu.memory_space<vmem>>, vector<1024x128xf32>
    tpu.vector_store %arg4[%swap3A, %swap3A_16], %mul3A_15 {strides = array<i32>} : memref<1024x128xf32, #tpu.memory_space<vmem>>, vector<1024x128xf32>,
    %swap3A_18 = arith.constant 0 : index
    %swap3A_19 = arith.constant 0 : index
    %swap3A_20 = vector.load %arg5[%swap3A_18, %swap3A_19] : memref<1024x1xf32, #tpu.memory_space<vmem>>, vector<1024x1xf32>
    tpu.vector_store %arg5[%swap3A_18, %swap3A_19], %rsqrt3A {strides = array<i32>} : memref<1024x1xf32, #tpu.memory_space<vmem>>, vector<1024x1xf32>,
    return
  }
  func.func @transform_0(%arg0: i32) -> (i32, i32) {
    %c0_i32 = arith.constant 0 : i32
    %c0_i32_0 = arith.constant 0 : i32
    return %arg0, %c0_i32 : i32, i32
  }
  func.func @transform_1(%arg0: i32) -> (i32, i32) {
    %c0_i32 = arith.constant 0 : i32
    %c0_i32_0 = arith.constant 0 : i32
    return %arg0, %c0_i32 : i32, i32
  }
  func.func @transform_2(%arg0: i32) -> (i32, i32) {
    %c0_i32 = arith.constant 0 : i32
    %c0_i32_0 = arith.constant 0 : i32
    %c0_i32_1 = arith.constant 0 : i32
    return %c0_i32, %c0_i32_0 : i32, i32
  }
  func.func @transform_3(%arg0: i32) -> (i32, i32) {
    %c0_i32 = arith.constant 0 : i32
    %c0_i32_0 = arith.constant 0 : i32
    return %arg0, %c0_i32 : i32, i32
  }
  func.func @transform_4(%arg0: i32) -> (i32, i32) {
    %c0_i32 = arith.constant 0 : i32
    %c0_i32_0 = arith.constant 0 : i32
    return %arg0, %c0_i32 : i32, i32
  }
}

module attributes {stable_mosaic.version = 14 : i64} {
  func.func @_tc2_body(%arg0: i32, %arg1: memref<1x1024x128xf32, #tpu.memory_space<vmem>>, %arg2: memref<1x1024x128xf32, #tpu.memory_space<vmem>>, %arg3: memref<1024x128xf32, #tpu.memory_space<vmem>>, %arg4: memref<1024x1xf32, #tpu.memory_space<vmem>>, %arg5: memref<1x128xf32, #tpu.memory_space<vmem>>, %arg6: memref<1024x128xf32, #tpu.memory_space<vmem>>) attributes {dimension_semantics = [#tpu.dimension_semantics<arbitrary>], iteration_bounds = array<i64: 10>, scalar_prefetch = 0 : i64, scratch_operands = 0 : i64, tpu.core_type = #tpu.core_type<tc>, window_params = [{transform_indices = @transform_0, window_bounds = array<i64: 1, 1024, 128>}, {transform_indices = @transform_1, window_bounds = array<i64: 1, 1024, 128>}, {transform_indices = @transform_2, window_bounds = array<i64: 1024, 128>}, {transform_indices = @transform_3, window_bounds = array<i64: 1024, 1>}, {pipeline_mode = #tpu.pipeline_mode<synchronous>, transform_indices = @transform_4, window_bounds = array<i64: 1, 128>}, {transform_indices = @transform_5, window_bounds = array<i64: 1024, 128>}]} {
    %get3A = arith.constant 0 : index
    %get3A_0 = arith.constant 0 : index
    %get3A_1 = arith.constant 0 : index
    %get3A_2 = vector.load %arg1[%get3A, %get3A_0, %get3A_1] : memref<1x1024x128xf32, #tpu.memory_space<vmem>>, vector<1x1024x128xf32>
    %get3A_3 = vector.shape_cast %get3A_2 : vector<1x1024x128xf32> to vector<1024x128xf32>
    %get3A_4 = arith.constant 0 : index
    %get3A_5 = arith.constant 0 : index
    %get3A_6 = arith.constant 0 : index
    %get3A_7 = vector.load %arg2[%get3A_4, %get3A_5, %get3A_6] : memref<1x1024x128xf32, #tpu.memory_space<vmem>>, vector<1x1024x128xf32>
    %get3A_8 = vector.shape_cast %get3A_7 : vector<1x1024x128xf32> to vector<1024x128xf32>
    %add3A = arith.addf %get3A_3, %get3A_8 : vector<1024x128xf32>
    %get3A_9 = arith.constant 0 : index
    %get3A_10 = arith.constant 0 : index
    %get3A_11 = vector.load %arg3[%get3A_9, %get3A_10] : memref<1024x128xf32, #tpu.memory_space<vmem>>, vector<1024x128xf32>
    %add3A_12 = arith.addf %add3A, %get3A_11 : vector<1024x128xf32>
    %get3A_13 = arith.constant 0 : index
    %get3A_14 = arith.constant 0 : index
    %get3A_15 = vector.load %arg4[%get3A_13, %get3A_14] : memref<1024x1xf32, #tpu.memory_space<vmem>>, vector<1024x1xf32>
    %mul3A = vector.broadcast %get3A_15 : vector<1024x1xf32> to vector<1024x128xf32>
    %mul3A_16 = arith.mulf %add3A_12, %mul3A : vector<1024x128xf32>
    %get3A_17 = arith.constant 0 : index
    %get3A_18 = arith.constant 0 : index
    %get3A_19 = vector.load %arg5[%get3A_17, %get3A_18] : memref<1x128xf32, #tpu.memory_space<vmem>>, vector<1x128xf32>
    %add3A_20 = vector.broadcast %get3A_19 : vector<1x128xf32> to vector<1024x128xf32>
    %add3A_21 = arith.addf %mul3A_16, %add3A_20 : vector<1024x128xf32>
    %max3A = arith.constant 0.000000e+00 : f32
    %max3A_22 = vector.broadcast %max3A : f32 to vector<1024x128xf32>
    %max3A_23 = arith.maximumf %add3A_21, %max3A_22 : vector<1024x128xf32>
    %get3A_24 = arith.constant 0 : index
    %get3A_25 = arith.constant 0 : index
    %get3A_26 = vector.load %arg4[%get3A_24, %get3A_25] : memref<1024x1xf32, #tpu.memory_space<vmem>>, vector<1024x1xf32>
    %mul3A_27 = vector.broadcast %get3A_26 : vector<1024x1xf32> to vector<1024x128xf32>
    %mul3A_28 = arith.mulf %max3A_23, %mul3A_27 : vector<1024x128xf32>
    %swap3A = arith.constant 0 : index
    %swap3A_29 = arith.constant 0 : index
    %swap3A_30 = vector.load %arg6[%swap3A, %swap3A_29] : memref<1024x128xf32, #tpu.memory_space<vmem>>, vector<1024x128xf32>
    tpu.vector_store %arg6[%swap3A, %swap3A_29], %mul3A_28 {strides = array<i32>} : memref<1024x128xf32, #tpu.memory_space<vmem>>, vector<1024x128xf32>,
    return
  }
  func.func @transform_0(%arg0: i32) -> (i32, i32, i32) {
    %c0_i32 = arith.constant 0 : i32
    %c0_i32_0 = arith.constant 0 : i32
    %c0_i32_1 = arith.constant 0 : i32
    return %c0_i32, %arg0, %c0_i32_0 : i32, i32, i32
  }
  func.func @transform_1(%arg0: i32) -> (i32, i32, i32) {
    %c1_i32 = arith.constant 1 : i32
    %c0_i32 = arith.constant 0 : i32
    %c0_i32_0 = arith.constant 0 : i32
    return %c1_i32, %arg0, %c0_i32 : i32, i32, i32
  }
  func.func @transform_2(%arg0: i32) -> (i32, i32) {
    %c0_i32 = arith.constant 0 : i32
    %c0_i32_0 = arith.constant 0 : i32
    return %arg0, %c0_i32 : i32, i32
  }
  func.func @transform_3(%arg0: i32) -> (i32, i32) {
    %c0_i32 = arith.constant 0 : i32
    %c0_i32_0 = arith.constant 0 : i32
    return %arg0, %c0_i32 : i32, i32
  }
  func.func @transform_4(%arg0: i32) -> (i32, i32) {
    %c0_i32 = arith.constant 0 : i32
    %c0_i32_0 = arith.constant 0 : i32
    %c0_i32_1 = arith.constant 0 : i32
    return %c0_i32, %c0_i32_0 : i32, i32
  }
  func.func @transform_5(%arg0: i32) -> (i32, i32) {
    %c0_i32 = arith.constant 0 : i32
    %c0_i32_0 = arith.constant 0 : i32
    return %arg0, %c0_i32 : i32, i32
  }
}

module attributes {stable_mosaic.version = 14 : i64} {
  func.func @_tc3_body(%arg0: i32, %arg1: memref<1x1024x128xf32, #tpu.memory_space<vmem>>, %arg2: memref<1x1024x128xf32, #tpu.memory_space<vmem>>, %arg3: memref<1024x128xf32, #tpu.memory_space<vmem>>, %arg4: memref<1024x1xf32, #tpu.memory_space<vmem>>, %arg5: memref<1x64xf32, #tpu.memory_space<vmem>>, %arg6: memref<128x64xf32, #tpu.memory_space<vmem>>, %arg7: memref<1024x64xf32, #tpu.memory_space<vmem>>) attributes {dimension_semantics = [#tpu.dimension_semantics<arbitrary>], iteration_bounds = array<i64: 10>, scalar_prefetch = 0 : i64, scratch_operands = 0 : i64, tpu.core_type = #tpu.core_type<tc>, window_params = [{transform_indices = @transform_0, window_bounds = array<i64: 1, 1024, 128>}, {transform_indices = @transform_1, window_bounds = array<i64: 1, 1024, 128>}, {transform_indices = @transform_2, window_bounds = array<i64: 1024, 128>}, {transform_indices = @transform_3, window_bounds = array<i64: 1024, 1>}, {pipeline_mode = #tpu.pipeline_mode<synchronous>, transform_indices = @transform_4, window_bounds = array<i64: 1, 64>}, {pipeline_mode = #tpu.pipeline_mode<synchronous>, transform_indices = @transform_5, window_bounds = array<i64: 128, 64>}, {transform_indices = @transform_6, window_bounds = array<i64: 1024, 64>}]} {
    %get3A = arith.constant 0 : index
    %get3A_0 = arith.constant 0 : index
    %get3A_1 = arith.constant 0 : index
    %get3A_2 = vector.load %arg1[%get3A, %get3A_0, %get3A_1] : memref<1x1024x128xf32, #tpu.memory_space<vmem>>, vector<1x1024x128xf32>
    %get3A_3 = vector.shape_cast %get3A_2 : vector<1x1024x128xf32> to vector<1024x128xf32>
    %get3A_4 = arith.constant 0 : index
    %get3A_5 = arith.constant 0 : index
    %get3A_6 = arith.constant 0 : index
    %get3A_7 = vector.load %arg2[%get3A_4, %get3A_5, %get3A_6] : memref<1x1024x128xf32, #tpu.memory_space<vmem>>, vector<1x1024x128xf32>
    %get3A_8 = vector.shape_cast %get3A_7 : vector<1x1024x128xf32> to vector<1024x128xf32>
    %add3A = arith.addf %get3A_3, %get3A_8 : vector<1024x128xf32>
    %get3A_9 = arith.constant 0 : index
    %get3A_10 = arith.constant 0 : index
    %get3A_11 = vector.load %arg3[%get3A_9, %get3A_10] : memref<1024x128xf32, #tpu.memory_space<vmem>>, vector<1024x128xf32>
    %add3A_12 = arith.addf %add3A, %get3A_11 : vector<1024x128xf32>
    %get3A_13 = arith.constant 0 : index
    %get3A_14 = arith.constant 0 : index
    %get3A_15 = vector.load %arg4[%get3A_13, %get3A_14] : memref<1024x1xf32, #tpu.memory_space<vmem>>, vector<1024x1xf32>
    %mul3A = vector.broadcast %get3A_15 : vector<1024x1xf32> to vector<1024x128xf32>
    %mul3A_16 = arith.mulf %add3A_12, %mul3A : vector<1024x128xf32>
    %get3A_17 = arith.constant 0 : index
    %get3A_18 = arith.constant 0 : index
    %get3A_19 = vector.load %arg6[%get3A_17, %get3A_18] : memref<128x64xf32, #tpu.memory_space<vmem>>, vector<128x64xf32>
    %dot_general3A = arith.constant dense<0.000000e+00> : vector<1024x64xf32>
    %dot_general3A_20 = tpu.matmul %mul3A_16, %get3A_19, %dot_general3A {dimension_numbers = #tpu.dot_dimension_numbers<[1], [0], [0], [1], [0, 0, 1, 1], [], []>, transpose_lhs_hint = false} : vector<1024x128xf32>, vector<128x64xf32>, vector<1024x64xf32> -> vector<1024x64xf32>
    %get3A_21 = arith.constant 0 : index
    %get3A_22 = arith.constant 0 : index
    %get3A_23 = vector.load %arg5[%get3A_21, %get3A_22] : memref<1x64xf32, #tpu.memory_space<vmem>>, vector<1x64xf32>
    %add3A_24 = vector.broadcast %get3A_23 : vector<1x64xf32> to vector<1024x64xf32>
    %add3A_25 = arith.addf %dot_general3A_20, %add3A_24 : vector<1024x64xf32>
    %swap3A = arith.constant 0 : index
    %swap3A_26 = arith.constant 0 : index
    %swap3A_27 = vector.load %arg7[%swap3A, %swap3A_26] : memref<1024x64xf32, #tpu.memory_space<vmem>>, vector<1024x64xf32>
    tpu.vector_store %arg7[%swap3A, %swap3A_26], %add3A_25 {strides = array<i32>} : memref<1024x64xf32, #tpu.memory_space<vmem>>, vector<1024x64xf32>,
    return
  }
  func.func @transform_0(%arg0: i32) -> (i32, i32, i32) {
    %c0_i32 = arith.constant 0 : i32
    %c0_i32_0 = arith.constant 0 : i32
    %c0_i32_1 = arith.constant 0 : i32
    return %c0_i32, %arg0, %c0_i32_0 : i32, i32, i32
  }
  func.func @transform_1(%arg0: i32) -> (i32, i32, i32) {
    %c1_i32 = arith.constant 1 : i32
    %c0_i32 = arith.constant 0 : i32
    %c0_i32_0 = arith.constant 0 : i32
    return %c1_i32, %arg0, %c0_i32 : i32, i32, i32
  }
  func.func @transform_2(%arg0: i32) -> (i32, i32) {
    %c0_i32 = arith.constant 0 : i32
    %c0_i32_0 = arith.constant 0 : i32
    return %arg0, %c0_i32 : i32, i32
  }
  func.func @transform_3(%arg0: i32) -> (i32, i32) {
    %c0_i32 = arith.constant 0 : i32
    %c0_i32_0 = arith.constant 0 : i32
    return %arg0, %c0_i32 : i32, i32
  }
  func.func @transform_4(%arg0: i32) -> (i32, i32) {
    %c0_i32 = arith.constant 0 : i32
    %c0_i32_0 = arith.constant 0 : i32
    %c0_i32_1 = arith.constant 0 : i32
    return %c0_i32, %c0_i32_0 : i32, i32
  }
  func.func @transform_5(%arg0: i32) -> (i32, i32) {
    %c0_i32 = arith.constant 0 : i32
    %c0_i32_0 = arith.constant 0 : i32
    %c0_i32_1 = arith.constant 0 : i32
    return %c0_i32, %c0_i32_0 : i32, i32
  }
  func.func @transform_6(%arg0: i32) -> (i32, i32) {
    %c0_i32 = arith.constant 0 : i32
    %c0_i32_0 = arith.constant 0 : i32
    return %arg0, %c0_i32 : i32, i32
  }
}

</mosaic_0001>

<sc_bundles>
// kernel: kernel.11.cloned.1.call-start
scs
__scs_entry_jumppad:
0x0: {  	(pc) =	sbr.rel $0x88, $3  }
0x1: {  	(tag) =	ssettag $0x0;
	lr =	simm.s32 $0x1  }
0x2: {  	[smem:$0x3F9B] =	sst lr;
	_ =	strace $0xD0000000  }
0x3: {  	_ = 	snop  }
0x4: {  	_ = 	snop  }
0x5: {  	_ = 	snop  }
0x6: {  	_ = 	snop  }
0x7: {  	_ = 	snop  }
__scs_overlays_trampoline_lowered:
0x8: {  	[smem:$0x3FAA] =	sst s0  }
0x9: {  	[smem:$0x3FAB] =	sst s1  }
0xa: {  	[smem:$0x3FAC] =	sst s2  }
0xb: {  	[smem:$0x3FAD] =	sst s3  }
0xc: {  	[smem:$0x3FAE] =	sst s4  }
0xd: {  	[smem:$0x3FAF] =	sst s5  }
0xe: {  	[smem:$0x3FB0] =	sst s6  }
0xf: {  	[smem:$0x3FB1] =	sst s7  }
0x10: {  	[smem:$0x3FB2] =	sst s8  }
0x11: {  	[smem:$0x3FB3] =	sst s9;
	s0 =	simm.s32 @!p0 $0x0  }
0x12: {  	s1 =	sld [smem:$0x3F99];
	s0 =	simm.s32 @p0 $0x1  }
0x13: {  	[smem:$0x3FB4] =	sst s0;
	s0 =	simm.s32 @!p1 $0x0  }
0x14: {  	s2 =	sld [smem:$0x3F98];
	s0 =	simm.s32 @p1 $0x1  }
0x15: {  	[smem:$0x3FB5] =	sst s0;
	s0 =	simm.s32 @!p2 $0x0  }
0x16: {  	s3 =	sld [smem:$0x3FDB];
	s0 =	simm.s32 @p2 $0x1  }
0x17: {  	s4 =	simm.s32 $0x1BF5;
	[smem:$0x3FB7] =	sst s0  }
0x18: {  	s0 =	sld [smem:$0x3F9A];
	_ =	swait.ge [sflag:s4], $0x0  }
0x19: {  	s7 =	sld [smem:$0x3F9B]  }
0x1a: {  	s8 =	sadd.s32 $0xFFFFE003, lr  }
0x1b: {  	s9 =	sadd.s32 $0xFFFFFEF7, lr;
	s5 =	simm.s32 $0xFFFFFFFF;
	p2 =	slt.u32 s8, $0xFFFFF086  }
0x1c: {  	p1 =	slt.u32 s9, $0xF7A;
	s5 =	simm.s32 @!p2 $0x0  }
0x1d: {  	s5 =	simm.s32 @p1 $0x1;
	p0 =	seq.s32 s7, s2  }
0x1e: {  	s7 =	smul.u32 @!p0 $0xF7A, s2;
	p2 =	seq.s32 @!p0 s5, $0x0  }
0x1f: {  	s9 =	smul.u32 $0xF7A, s1;
	s8 =	simm.s32 @!p0 $0x1BF5;
	p2 =	por !p2, p0  }
0x20: {  	[sflag:s8] =	ssyncset.s32 @!p0 $0xFFFFF086;
	s6 =	sadd.s32 @!p0 s3, s7;
	s7 =	simm.s32 @!p0 $0x108  }
0x21: {  	s3 =	sadd.s32 s3, s9;
	s6 =	sadd.s32 @!p0 $0x88, s6;
	s7 =	simm.s32 @p2 $0x1082  }
0x22: {  	[simem:s7], [sflag:s8] =	dma.local @!p0 [hbm:s6], $0xF7A  }
0x23: {  	s9 =	sor.u32 $0xD0000000, s2;
	s6 =	simm.s32 $0x108;
	_ =	swait.ge @!p0 [sflag:s8], $0x0  }
0x24: {  	s3 =	sadd.s32 $0x88, s3;
	s6 =	simm.s32 @!p1 $0x1082;
	[sflag:s4] =	ssyncset.s32 $0xFFFFF086  }
0x25: {  	[simem:s6], [sflag:s4] =	dma.local [hbm:s3], $0xF7A  }
0x26: {  	[smem:$0x3F9B] =	sst s1;
	(tag) =	ssettag s2;
	_ =	strace s9  }
0x27: {  	s1 =	sld [smem:$0x3FAB]  }
0x28: {  	s2 =	sld [smem:$0x3FAC]  }
0x29: {  	s4 =	sld [smem:$0x3FAE]  }
0x2a: {  	p0 =	seq.s32 s5, $0x0;
	s5 =	sld [smem:$0x3FAF]  }
0x2b: {  	s6 =	sld [smem:$0x3FB0]  }
0x2c: {  	s7 =	sld [smem:$0x3FB1]  }
0x2d: {  	s3 =	simm.s32 $0x108;
	s8 =	sld [smem:$0x3FB2]  }
0x2e: {  	s3 =	simm.s32 @!p0 $0x1082;
	s9 =	sld [smem:$0x3FB3]  }
0x2f: {  	lr =	sadd.s32 s0, s3;
	s0 =	sld [smem:$0x3FAA]  }
0x30: {  	s3 =	sld [smem:$0x3FAD]  }
0x31: {  	[smem:$0x3FB6] =	sst s10  }
0x32: {  	s10 =	sld [smem:$0x3FB4];
	_ =	sdelay $0x3  }
0x33: {  	p0 =	seq.s32 s10, $0x1;
	s10 =	sld [smem:$0x3FB6];
	_ =	sdelay $0x3  }
0x34: {  	[smem:$0x3FB6] =	sst s10  }
0x35: {  	s10 =	sld [smem:$0x3FB5];
	_ =	sdelay $0x3  }
0x36: {  	p1 =	seq.s32 s10, $0x1;
	s10 =	sld [smem:$0x3FB6];
	_ =	sdelay $0x3  }
0x37: {  	[smem:$0x3FB6] =	sst s10  }
0x38: {  	s10 =	sld [smem:$0x3FB7]  }
0x39: {  	_ = 	snop;
	(pc) =	sbr.ind lr, $3  }
0x3a: {  	_ = 	snop  }
0x3b: {  	_ = 	snop  }
0x3c: {  	p2 =	seq.s32 s10, $0x1;
	s10 =	sld [smem:$0x3FB6]  }
0x3d: {  	_ =	shalt  }
0x3e: {  	_ =	shalt  }
0x3f: {  	_ =	shalt  }
0x40: {  	_ =	shalt  }
0x41: {  	_ =	shalt  }
0x42: {  	_ =	shalt  }
0x43: {  	_ =	shalt  }
0x44: {  	_ =	shalt  }
0x45: {  	_ =	shalt  }
0x46: {  	_ =	shalt  }
0x47: {  	_ =	shalt  }
0x48: {  	_ =	shalt  }
0x49: {  	_ =	shalt  }
0x4a: {  	_ =	shalt  }
0x4b: {  	_ =	shalt  }
0x4c: {  	_ =	shalt  }
0x4d: {  	_ =	shalt  }
0x4e: {  	_ =	shalt  }
0x4f: {  	_ =	shalt  }
0x50: {  	_ =	shalt  }
0x51: {  	_ =	shalt  }
0x52: {  	_ =	shalt  }
0x53: {  	_ =	shalt  }
0x54: {  	_ =	shalt  }
0x55: {  	_ =	shalt  }
0x56: {  	_ =	shalt  }
0x57: {  	_ =	shalt  }
0x58: {  	_ =	shalt  }
0x59: {  	_ =	shalt  }
0x5a: {  	_ =	shalt  }
0x5b: {  	_ =	shalt  }
0x5c: {  	_ =	shalt  }
0x5d: {  	_ =	shalt  }
0x5e: {  	_ =	shalt  }
0x5f: {  	_ =	shalt  }
0x60: {  	_ =	shalt  }
0x61: {  	_ =	shalt  }
0x62: {  	_ =	shalt  }
0x63: {  	_ =	shalt  }
0x64: {  	_ =	shalt  }
0x65: {  	_ =	shalt  }
0x66: {  	_ =	shalt  }
0x67: {  	_ =	shalt  }
0x68: {  	_ =	shalt  }
0x69: {  	_ =	shalt  }
0x6a: {  	_ =	shalt  }
0x6b: {  	_ =	shalt  }
0x6c: {  	_ =	shalt  }
0x6d: {  	_ =	shalt  }
0x6e: {  	_ =	shalt  }
0x6f: {  	_ =	shalt  }
0x70: {  	_ =	shalt  }
0x71: {  	_ =	shalt  }
0x72: {  	_ =	shalt  }
0x73: {  	_ =	shalt  }
0x74: {  	_ =	shalt  }
0x75: {  	_ =	shalt  }
0x76: {  	_ =	shalt  }
0x77: {  	_ =	shalt  }
0x78: {  	_ =	shalt  }
0x79: {  	_ =	shalt  }
0x7a: {  	_ =	shalt  }
0x7b: {  	_ =	shalt  }
0x7c: {  	_ =	shalt  }
0x7d: {  	_ =	shalt  }
0x7e: {  	_ =	shalt  }
0x7f: {  	_ =	shalt  }
0x80: {  	_ =	shalt  }
0x81: {  	_ =	shalt  }
0x82: {  	_ =	shalt  }
0x83: {  	_ =	shalt  }
0x84: {  	_ =	shalt  }
0x85: {  	_ =	shalt  }
0x86: {  	_ =	shalt  }
0x87: {  	_ =	shalt  }
.Lfunc_end0:
.L_simem_size_0:
called_computation.1_lowered:
.L_overlay_start_0:
0x88: {  	s2 =	sld [smem:$0x3FD9]  }
0x89: {  	s3 =	sld [smem:$0x3FFE];
	_ =	sdelay $0x1  }
0x8a: {  	s1 =	srdreg.scid  }
0x8b: {  	s0 =	sand.u32 $0x1, s1  }
0x8c: {  	s17 =	sshll.u32 s0, $0xA;
	s2 =	sadd.s32 s3, s2  }
0x8d: {  	s2 =	sadd.s32 s2, s17  }
0x8e: {  	[smem:$0x3FC2] =	sst s2  }
0x8f: {  	_ = 	snop  }
0x90: {  	s2 =	sld [smem:$0x3FD0];
	(tm) =	ssettm $0x1  }
0x91: {  	s18 =	sld [smem:$0x3FFB];
	_ =	sdelay $0x3  }
0x92: {  	_ =	strace s18  }
0x93: {  	s3 =	sld [smem:$0x3FFC];
	_ =	sdelay $0x3  }
0x94: {  	_ =	strace s3  }
0x95: {  	s3 =	sld [smem:$0x3FFD];
	_ =	sdelay $0x3  }
0x96: {  	_ =	strace s3  }
0x97: {  	_ =	strace $0x8FFFFFFF  }
0x98: {  	s19 =	sld [smem:$0x3FDB];
	_ =	sdelay $0x1  }
0x99: {  	s4 =	simm.s32 $_scs_section_size  }
0x9a: {  	s5 =	simm.s32 $_size__tile_overlayer_lowered;
	s6 =	simm.s32 $_tile_overlayer_lowered  }
0x9b: {  	s22 =	simm.s32 $0x1BFF;
	s21 =	sshll.u32 s6, $0x1;
	s3 =	sadd.s32 s4, s19  }
0x9c: {  	s7 =	simm.s32 $0x0;
	s20 =	sshll.u32 s5, $0x1;
	s5 =	sadd.s32 s21, s3  }
0x9d: {  	[timem:s7], [sflag:s22] =	dma.local [hbm:s5], s20  }
0x9e: {  	_ =	swait.ge [sflag:s22], s20  }
0x9f: {  	s4 =	ssub.s32 $0x0, s20;
	[sflag:s22] =	ssyncset.done $0x0  }
0xa0: {  	[sflag:s22] =	ssyncadd.s32 s4;
	_ =	sdelay $0x1  }
0xa1: {  	s23 =	simm.s32 $0x1B8B  }
0xa2: {  	_ =	swait.ge [sflag:s23], $0x1  }
0xa3: {  	[sflag:s23] =	ssyncset.done $0x0  }
0xa4: {  	s25 =	simm.s32 $0x1B8E;
	s24 =	sld [smem:$0x3FFE];
	[sflag:s23] =	ssyncadd.s32 $0xFFFFFFFF  }
0xa5: {  	s26 =	simm.s32 $execute0_lowered;
	[smem:$0x3FD2] =	sst s25  }
0xa6: {  	s5 =	sshll.u32 s26, $0x1;
	_ =	strace $0x80000049;
	[dreg:$0x1] =	wrdreg $0xFFFFFFFF  }
0xa7: {  	s28 =	simm.s32 $_size_execute0_lowered;
	s3 =	sadd.s32 s3, s5;
	[dreg:$0x0] =	wrdreg $0x0  }
0xa8: {  	s5 =	sshll.u32 s28, $0x1;
	[dreg:$0x2] =	wrdreg s3  }
0xa9: {  	[dreg:$0x3] =	wrdreg s5  }
0xaa: {  	[dreg:$0x4] =	wrdreg $0xC0  }
0xab: {  	_ =	task [dreg:s7], $0x5FFFF  }
0xac: {  	[dreg:$0x1] =	wrdreg $0xFFFFFFFF  }
0xad: {  	[dreg:$0x0] =	wrdreg $0x60  }
0xae: {  	[dreg:$0x2] =	wrdreg s24  }
0xaf: {  	[dreg:$0x3] =	wrdreg s2  }
0xb0: {  	[dreg:$0x4] =	wrdreg $0xA8000  }
0xb1: {  	[dreg:$0x5] =	wrdreg $0x9  }
0xb2: {  	_ =	task.clear_ibuf [dreg:s7], $0x6FFFF;
	_ =	strace $0x90000049  }
0xb3: {  	s29 =	simm.s32 $0x9;
	_ =	strace $0x8000004B  }
0xb4: {  	_ =	swait.ge [sflag:s29], $0x1  }
0xb5: {  	[sflag:s29] =	ssyncadd.s32 $0xFFFFFFFF  }
0xb6: {  	_ =	strace $0x9000004B  }
0xb7: {  	_ =	sfence  }
0xb8: {  	s30 =	sld [smem:$0x0];
	_ =	sdelay $0x2  }
0xb9: {  	s31 =	sshll.u32 s1, $0xD;
	s1 =	sshrl.u32 s1, $0x2  }
0xba: {  	s3 =	sand.u32 $0x4000, s31;
	s1 =	sadd.s32 s1, s30  }
0xbb: {  	s0 =	sor.u32 s3, s0;
	s1 =	sshll.u32 s1, $0x11  }
0xbc: {  	s0 =	sor.u32 s1, s0  }
0xbd: {  	s0 =	sadd.s32 $0x8F2B, s0  }
0xbe: {  	[sflag:s0] =	ssyncadd.remote.s32 $0x1  }
0xbf: {  	_ =	sfence.sel $0xFFFF  }
0xc0: {  	[dreg:$0x0] =	wrdreg $0xFFFFFFFF;
	(pc) =	sbr.abs _section_cstart, $3  }
0xc1: {  	[dreg:$0x1] =	wrdreg $0xFFFFFFFF  }
0xc2: {  	_ =	task.clear_ibuf [dreg:s7], $0x2FFFF;
	_ =	strace $0x9FFFFFFF  }
0xc3: {  	(tm) =	ssettm $0x7FFFFFFF  }
tec
execute0_lowered:
.L_overlay_start_1:
0x0: {  	(tag) =	ssettag $0x1  }
0x1: {  	s5 =	rddreg [dreg:$0x0]  }
0x2: {  	s12 =	rddreg [dreg:$0x1]  }
0x3: {  	s2 =	rddreg [dreg:$0x2]  }
0x4: {  	s0 =	rddreg [dreg:$0x3];
	s1 =	stileid.u32  }
0x5: {  	s4 =	srdreg.scid;
	s3 =	simm.s32 $0x0;
	s15 =	simm.s32 $0x2800  }
0x6: {  	s16 =	simm.s32 $0x1;
	s17 =	simm.s32 $0x2780;
	s18 =	simm.s32 $0x2  }
0x7: {  	s19 =	simm.s32 $0x80;
	s20 =	simm.s32 $0x0;
	s6 =	smul.u32 $0x14000, s1  }
0x8: {  	s7 =	sand.u32 $0x1, s4;
	[smem:$0x7FF] =	sst s3;
	s4 =	sadd.s32 $0xC000, s5  }
0x9: {  	s11 =	sadd.s32 $0x2000, s5;
	s13 =	smul.u32 $0x50000, s1;
	s29 =	sshll.u32 s1, $0x6  }
0xa: {  	s8 =	smul.u32 $0x140000, s7;
	_ =	strace $0x8000004A;
	s25 =	ssub.s32 $0x2, s7  }
0xb: {  	s7 =	sshll.u32 s7, $0x4;
	s9 =	sshrl.u32 s6, $0x3;
	s10 =	sshrl.u32 s25, $0x1  }
0xc: {  	s26 =	sor.u32 s1, s7;
	s28 =	sshrl.u32 s13, $0x2;
	s6 =	sadd.s32 s6, s8  }
0xd: {  	s24 =	sadd.s32 s9, s5;
	s9 =	ssub.s32 s25, s10;
	s30 =	smul.u32 $0x500, s26  }
.Ltmp0:
0xe: {  	s13 =	sadd.s32 s28, s2;
	s6 =	sshrl.u32 s6, $0x3;
	(pc) =	sbr.rel .LBB2_1-.Ltmp0, $4  }
0xf: {  	s8 =	smax.u32 s9, $0x1;
	s13 =	sshrl.u32 s13, $0x3;
	s14 =	sadd.s32 s6, s5  }
0x10: {  	s5 =	sadd.s32 $0x34000, s24;
	s6 =	sor.u32 $0x1C03, s29;
	s31 =	sadd.s32 $0x280, s30  }
0x11: {  	s9 =	sadd.s32 s11, s30;
	s10 =	sadd.s32 s12, s30;
	s7 =	sadd.s32 $0x5C000, s14  }
0x12: {  	s11 =	sadd.s32 s11, s31;
	s12 =	sadd.s32 s12, s31;
	s14 =	simm.s32 $0x3  }
.LBB2_7:
0x13: {  	[spmem:s2] =	stream.indirect.scatter.add.f32 [tilespmem:s24], [sflag:$0x2], $0x80, s17, s19, $0xb8;
	[tilespmem:$0x1E800] =	vst v63  }
0x14: {  	_ =	swait.ge [sflag:s18], $0x4000  }
0x15: {  	s20 =	sadd.s32 $0x1, s20;
	[sflag:s18] =	ssyncset.done $0x0  }
0x16: {  	p0 =	sne.s32 s20, s8;
	[sflag:s18] =	ssyncadd.s32 $0xFFFFC000  }
.Ltmp1:
0x17: {  	[bflag:$0x0] =	sbarrier.arrive $0xFFFF;
	(pc) =	sbr.rel @!p0 .LBB2_8-.Ltmp1, $4  }
0x18: {  	[hbm:s7], [sflag:s6] =	dma.local [spmem:s13], $0x2800  }
0x19: {  	_ =	swait.ge [sflag:s14], $0x2800  }
0x1a: {  	[sflag:s14] =	ssyncset.done $0x0  }
0x1b: {  	[sflag:s14] =	ssyncadd.s32 $0xFFFFD800  }
.LBB2_1:
0x1c: {  	[spmem:s13], [sflag:s6] =	dma.local [hbm:s5], $0x2800  }
0x1d: {  	_ =	swait.ge [sflag:s14], $0x2800  }
0x1e: {  	[sflag:s14] =	ssyncset.done $0x0  }
0x1f: {  	[sflag:s14] =	ssyncadd.s32 $0xFFFFD800  }
0x20: {  	[bflag:$0x0] =	sbarrier.arrive $0xFFFF  }
0x21: {  	[tilespmem:s3], [sflag:$0x3] =	stream.linear.gather [hbm4b:s9+s3], $0x1400, $0x38;
	[tilespmem:$0x1E800] =	vst v63  }
0x22: {  	_ =	swait.ge [sflag:s14], $0x1400  }
0x23: {  	[sflag:s14] =	ssyncset.done $0x0  }
0x24: {  	s21 =	simm.s32 $0x1400;
	[sflag:s14] =	ssyncadd.s32 $0xFFFFEC00  }
0x25: {  	[tilespmem:s21], [sflag:$0x3] =	stream.linear.gather [hbm4b:s10+s3], $0x1400, $0x38;
	[tilespmem:$0x1E800] =	vst v63  }
0x26: {  	_ =	swait.ge [sflag:s14], $0x1400  }
0x27: {  	[sflag:s14] =	ssyncset.done $0x0  }
0x28: {  	s22 =	simm.s32 $0x0;
	s23 =	simm.s32 $0x80;
	[sflag:s14] =	ssyncadd.s32 $0xFFFFEC00  }
0x29: {  	[tilespmem:s15], [sflag:$0x1] =	stream.indirect.gather [hbm4b:s4+s19], $0x80, s3, s19, $0xb8;
	[tilespmem:$0x1E800] =	vst v63  }
.LBB2_2:
0x2a: {  	p0 =	seq.s32 s22, $0x0  }
0x2b: {  	p1 =	seq.s32 @!p0 s22, $0x27  }
0x2c: {  	_ =	swait.ge [sflag:s16], $0x4000;
	p1 =	por p0, !p1  }
.Ltmp2:
0x2d: {  	[sflag:s16] =	ssyncset.done $0x0;
	(pc) =	sbr.rel @!p1 .LBB2_4-.Ltmp2, $4  }
0x2e: {  	s26 =	simm.s32 @!p0 $0x2;
	[sflag:s16] =	ssyncadd.s32 $0xFFFFC000  }
0x2f: {  	s24 =	sand.u32 $0x1, s22;
	_ =	swait.ge @!p0 [sflag:s26], $0x4000  }
0x30: {  	s25 =	sshll.u32 s24, $0xE;
	[sflag:s26] =	ssyncset.done @!p0 $0x0  }
0x31: {  	s24 =	sor.u32 $0x2800, s25;
	[sflag:s26] =	ssyncadd.s32 @!p0 $0xFFFFC000  }
.Ltmp3:
0x32: {  	s25 =	sxor.u32 $0x6800, s25;
	(pc) =	sbr.rel .LBB2_2-.Ltmp3, $4  }
0x33: {  	[tilespmem:s25], [sflag:$0x1] =	stream.indirect.gather [hbm4b:s4+s19], $0x80, s23, s19, $0xb8;
	[tilespmem:$0x1E800] =	vst v63  }
0x34: {  	_ = 	snop  }
0x35: {  	[spmem:s2] =	stream.indirect.scatter.add.f32 [tilespmem:s24], [sflag:$0x2], $0x80, s21, s19, $0xb8;
	[tilespmem:$0x1E800] =	vst v63  }
0x36: {  	s22 =	sadd.s32 $0x1, s22;
	s23 =	sadd.s32 $0x80, s23;
	s21 =	sadd.s32 $0x80, s21  }
.LBB2_4:
0x37: {  	s21 =	simm.s32 $0x80  }
0x38: {  	[spmem:s2] =	stream.indirect.scatter.add.f32 [tilespmem:s24], [sflag:$0x2], $0x80, s17, s21, $0xb8;
	[tilespmem:$0x1E800] =	vst v63  }
0x39: {  	_ =	swait.ge [sflag:s18], $0x4000  }
0x3a: {  	[sflag:s18] =	ssyncset.done $0x0  }
0x3b: {  	s22 =	simm.s32 $0x0;
	[sflag:s18] =	ssyncadd.s32 $0xFFFFC000  }
0x3c: {  	[tilespmem:s22], [sflag:$0x3] =	stream.linear.gather [hbm4b:s11+s22], $0x1400, $0x38;
	[tilespmem:$0x1E800] =	vst v63  }
0x3d: {  	_ =	swait.ge [sflag:s14], $0x1400  }
0x3e: {  	[sflag:s14] =	ssyncset.done $0x0  }
0x3f: {  	s23 =	simm.s32 $0x1400;
	[sflag:s14] =	ssyncadd.s32 $0xFFFFEC00  }
0x40: {  	[tilespmem:s23], [sflag:$0x3] =	stream.linear.gather [hbm4b:s12+s22], $0x1400, $0x38;
	[tilespmem:$0x1E800] =	vst v63  }
0x41: {  	_ =	swait.ge [sflag:s14], $0x1400  }
0x42: {  	[sflag:s14] =	ssyncset.done $0x0  }
0x43: {  	[sflag:s14] =	ssyncadd.s32 $0xFFFFEC00  }
0x44: {  	[tilespmem:s15], [sflag:$0x1] =	stream.indirect.gather [hbm4b:s4+s21], $0x80, s22, s21, $0xb8;
	[tilespmem:$0x1E800] =	vst v63  }
.LBB2_5:
0x45: {  	p0 =	seq.s32 s22, $0x0  }
0x46: {  	p1 =	seq.s32 @!p0 s22, $0x27  }
0x47: {  	_ =	swait.ge [sflag:s16], $0x4000;
	p1 =	por p0, !p1  }
.Ltmp4:
0x48: {  	[sflag:s16] =	ssyncset.done $0x0;
	(pc) =	sbr.rel @!p1 .LBB2_7-.Ltmp4, $4  }
0x49: {  	s26 =	simm.s32 @!p0 $0x2;
	[sflag:s16] =	ssyncadd.s32 $0xFFFFC000  }
0x4a: {  	s24 =	sand.u32 $0x1, s22;
	_ =	swait.ge @!p0 [sflag:s26], $0x4000  }
0x4b: {  	s25 =	sshll.u32 s24, $0xE;
	[sflag:s26] =	ssyncset.done @!p0 $0x0  }
0x4c: {  	s24 =	sor.u32 $0x2800, s25;
	[sflag:s26] =	ssyncadd.s32 @!p0 $0xFFFFC000  }
.Ltmp5:
0x4d: {  	s25 =	sxor.u32 $0x6800, s25;
	(pc) =	sbr.rel .LBB2_5-.Ltmp5, $4  }
0x4e: {  	[tilespmem:s25], [sflag:$0x1] =	stream.indirect.gather [hbm4b:s4+s19], $0x80, s21, s19, $0xb8;
	[tilespmem:$0x1E800] =	vst v63  }
0x4f: {  	_ = 	snop  }
0x50: {  	[spmem:s2] =	stream.indirect.scatter.add.f32 [tilespmem:s24], [sflag:$0x2], $0x80, s23, s19, $0xb8;
	[tilespmem:$0x1E800] =	vst v63  }
0x51: {  	s22 =	sadd.s32 $0x1, s22;
	s21 =	sadd.s32 $0x80, s21;
	s23 =	sadd.s32 $0x80, s23  }
.LBB2_8:
0x52: {  	_ =	sfence.sel $0x180000  }
0x53: {  	[bflag:$0x0] =	sbarrier.arrive $0xFFFF  }
0x54: {  	p0 =	sne.s32 s1, $0x0;
	_ =	strace $0x9000004A  }
0x55: {  	s0 =	sadd.s32 @!p0 $0x100000, s0;
	[bflag:$0x2] =	sbarrier.arrive $0xFFFF  }
0x56: {  	[sflag:s0] =	ssyncadd.tile.s32 @!p0 $0x1;
	_ =	shalt  }
.Lfunc_end2:
_tile_overlayer_lowered:
.L_overlay_start_2:
0x57: {  	(tag) =	ssettag $0x2  }
0x58: {  	s0 =	rddreg [dreg:$0x0];
	s2 =	stileid.u32  }
0x59: {  	s1 =	rddreg [dreg:$0x1];
	p0 =	sne.s32 s2, $0x0  }
0x5a: {  	s3 =	rddreg [dreg:$0x2];
	[bflag:$0x3] =	sbarrier.arrive $0xFFFF;
	s2 =	simm.s32 @!p0 $0x1C03  }
0x5b: {  	[timem:s3], [sflag:s2] =	dma.local @!p0 [hbm:s0], s1  }
0x5c: {  	s0 =	simm.s32 @!p0 $0x3  }
0x5d: {  	_ =	swait.ge @!p0 [sflag:s0], s1  }
0x5e: {  	s1 =	ssub.s32 @!p0 $0x0, s1;
	[sflag:s0] =	ssyncset.done @!p0 $0x0  }
0x5f: {  	[sflag:s0] =	ssyncadd.s32 @!p0 s1  }
0x60: {  	[bflag:$0x3] =	sbarrier.arrive $0xFFFF  }
0x61: {  	_ =	shalt  }

// kernel: kernel.14.cloned.1.call-start
scs
__scs_entry_jumppad:
0x0: {  	(pc) =	sbr.rel $0x88, $3  }
0x1: {  	(tag) =	ssettag $0x0;
	lr =	simm.s32 $0x1  }
0x2: {  	[smem:$0x3F9B] =	sst lr;
	_ =	strace $0xD0000000  }
0x3: {  	_ = 	snop  }
0x4: {  	_ = 	snop  }
0x5: {  	_ = 	snop  }
0x6: {  	_ = 	snop  }
0x7: {  	_ = 	snop  }
__scs_overlays_trampoline_lowered:
0x8: {  	[smem:$0x3FAA] =	sst s0  }
0x9: {  	[smem:$0x3FAB] =	sst s1  }
0xa: {  	[smem:$0x3FAC] =	sst s2  }
0xb: {  	[smem:$0x3FAD] =	sst s3  }
0xc: {  	[smem:$0x3FAE] =	sst s4  }
0xd: {  	[smem:$0x3FAF] =	sst s5  }
0xe: {  	[smem:$0x3FB0] =	sst s6  }
0xf: {  	[smem:$0x3FB1] =	sst s7  }
0x10: {  	[smem:$0x3FB2] =	sst s8  }
0x11: {  	[smem:$0x3FB3] =	sst s9;
	s0 =	simm.s32 @!p0 $0x0  }
0x12: {  	s1 =	sld [smem:$0x3F99];
	s0 =	simm.s32 @p0 $0x1  }
0x13: {  	[smem:$0x3FB4] =	sst s0;
	s0 =	simm.s32 @!p1 $0x0  }
0x14: {  	s2 =	sld [smem:$0x3F98];
	s0 =	simm.s32 @p1 $0x1  }
0x15: {  	[smem:$0x3FB5] =	sst s0;
	s0 =	simm.s32 @!p2 $0x0  }
0x16: {  	s3 =	sld [smem:$0x3FDB];
	s0 =	simm.s32 @p2 $0x1  }
0x17: {  	s4 =	simm.s32 $0x1BF5;
	[smem:$0x3FB7] =	sst s0  }
0x18: {  	s0 =	sld [smem:$0x3F9A];
	_ =	swait.ge [sflag:s4], $0x0  }
0x19: {  	s7 =	sld [smem:$0x3F9B]  }
0x1a: {  	s8 =	sadd.s32 $0xFFFFE003, lr  }
0x1b: {  	s9 =	sadd.s32 $0xFFFFFEF7, lr;
	s5 =	simm.s32 $0xFFFFFFFF;
	p2 =	slt.u32 s8, $0xFFFFF086  }
0x1c: {  	p1 =	slt.u32 s9, $0xF7A;
	s5 =	simm.s32 @!p2 $0x0  }
0x1d: {  	s5 =	simm.s32 @p1 $0x1;
	p0 =	seq.s32 s7, s2  }
0x1e: {  	s7 =	smul.u32 @!p0 $0xF7A, s2;
	p2 =	seq.s32 @!p0 s5, $0x0  }
0x1f: {  	s9 =	smul.u32 $0xF7A, s1;
	s8 =	simm.s32 @!p0 $0x1BF5;
	p2 =	por !p2, p0  }
0x20: {  	[sflag:s8] =	ssyncset.s32 @!p0 $0xFFFFF086;
	s6 =	sadd.s32 @!p0 s3, s7;
	s7 =	simm.s32 @!p0 $0x108  }
0x21: {  	s3 =	sadd.s32 s3, s9;
	s6 =	sadd.s32 @!p0 $0x88, s6;
	s7 =	simm.s32 @p2 $0x1082  }
0x22: {  	[simem:s7], [sflag:s8] =	dma.local @!p0 [hbm:s6], $0xF7A  }
0x23: {  	s9 =	sor.u32 $0xD0000000, s2;
	s6 =	simm.s32 $0x108;
	_ =	swait.ge @!p0 [sflag:s8], $0x0  }
0x24: {  	s3 =	sadd.s32 $0x88, s3;
	s6 =	simm.s32 @!p1 $0x1082;
	[sflag:s4] =	ssyncset.s32 $0xFFFFF086  }
0x25: {  	[simem:s6], [sflag:s4] =	dma.local [hbm:s3], $0xF7A  }
0x26: {  	[smem:$0x3F9B] =	sst s1;
	(tag) =	ssettag s2;
	_ =	strace s9  }
0x27: {  	s1 =	sld [smem:$0x3FAB]  }
0x28: {  	s2 =	sld [smem:$0x3FAC]  }
0x29: {  	s4 =	sld [smem:$0x3FAE]  }
0x2a: {  	p0 =	seq.s32 s5, $0x0;
	s5 =	sld [smem:$0x3FAF]  }
0x2b: {  	s6 =	sld [smem:$0x3FB0]  }
0x2c: {  	s7 =	sld [smem:$0x3FB1]  }
0x2d: {  	s3 =	simm.s32 $0x108;
	s8 =	sld [smem:$0x3FB2]  }
0x2e: {  	s3 =	simm.s32 @!p0 $0x1082;
	s9 =	sld [smem:$0x3FB3]  }
0x2f: {  	lr =	sadd.s32 s0, s3;
	s0 =	sld [smem:$0x3FAA]  }
0x30: {  	s3 =	sld [smem:$0x3FAD]  }
0x31: {  	[smem:$0x3FB6] =	sst s10  }
0x32: {  	s10 =	sld [smem:$0x3FB4];
	_ =	sdelay $0x3  }
0x33: {  	p0 =	seq.s32 s10, $0x1;
	s10 =	sld [smem:$0x3FB6];
	_ =	sdelay $0x3  }
0x34: {  	[smem:$0x3FB6] =	sst s10  }
0x35: {  	s10 =	sld [smem:$0x3FB5];
	_ =	sdelay $0x3  }
0x36: {  	p1 =	seq.s32 s10, $0x1;
	s10 =	sld [smem:$0x3FB6];
	_ =	sdelay $0x3  }
0x37: {  	[smem:$0x3FB6] =	sst s10  }
0x38: {  	s10 =	sld [smem:$0x3FB7]  }
0x39: {  	_ = 	snop;
	(pc) =	sbr.ind lr, $3  }
0x3a: {  	_ = 	snop  }
0x3b: {  	_ = 	snop  }
0x3c: {  	p2 =	seq.s32 s10, $0x1;
	s10 =	sld [smem:$0x3FB6]  }
0x3d: {  	_ =	shalt  }
0x3e: {  	_ =	shalt  }
0x3f: {  	_ =	shalt  }
0x40: {  	_ =	shalt  }
0x41: {  	_ =	shalt  }
0x42: {  	_ =	shalt  }
0x43: {  	_ =	shalt  }
0x44: {  	_ =	shalt  }
0x45: {  	_ =	shalt  }
0x46: {  	_ =	shalt  }
0x47: {  	_ =	shalt  }
0x48: {  	_ =	shalt  }
0x49: {  	_ =	shalt  }
0x4a: {  	_ =	shalt  }
0x4b: {  	_ =	shalt  }
0x4c: {  	_ =	shalt  }
0x4d: {  	_ =	shalt  }
0x4e: {  	_ =	shalt  }
0x4f: {  	_ =	shalt  }
0x50: {  	_ =	shalt  }
0x51: {  	_ =	shalt  }
0x52: {  	_ =	shalt  }
0x53: {  	_ =	shalt  }
0x54: {  	_ =	shalt  }
0x55: {  	_ =	shalt  }
0x56: {  	_ =	shalt  }
0x57: {  	_ =	shalt  }
0x58: {  	_ =	shalt  }
0x59: {  	_ =	shalt  }
0x5a: {  	_ =	shalt  }
0x5b: {  	_ =	shalt  }
0x5c: {  	_ =	shalt  }
0x5d: {  	_ =	shalt  }
0x5e: {  	_ =	shalt  }
0x5f: {  	_ =	shalt  }
0x60: {  	_ =	shalt  }
0x61: {  	_ =	shalt  }
0x62: {  	_ =	shalt  }
0x63: {  	_ =	shalt  }
0x64: {  	_ =	shalt  }
0x65: {  	_ =	shalt  }
0x66: {  	_ =	shalt  }
0x67: {  	_ =	shalt  }
0x68: {  	_ =	shalt  }
0x69: {  	_ =	shalt  }
0x6a: {  	_ =	shalt  }
0x6b: {  	_ =	shalt  }
0x6c: {  	_ =	shalt  }
0x6d: {  	_ =	shalt  }
0x6e: {  	_ =	shalt  }
0x6f: {  	_ =	shalt  }
0x70: {  	_ =	shalt  }
0x71: {  	_ =	shalt  }
0x72: {  	_ =	shalt  }
0x73: {  	_ =	shalt  }
0x74: {  	_ =	shalt  }
0x75: {  	_ =	shalt  }
0x76: {  	_ =	shalt  }
0x77: {  	_ =	shalt  }
0x78: {  	_ =	shalt  }
0x79: {  	_ =	shalt  }
0x7a: {  	_ =	shalt  }
0x7b: {  	_ =	shalt  }
0x7c: {  	_ =	shalt  }
0x7d: {  	_ =	shalt  }
0x7e: {  	_ =	shalt  }
0x7f: {  	_ =	shalt  }
0x80: {  	_ =	shalt  }
0x81: {  	_ =	shalt  }
0x82: {  	_ =	shalt  }
0x83: {  	_ =	shalt  }
0x84: {  	_ =	shalt  }
0x85: {  	_ =	shalt  }
0x86: {  	_ =	shalt  }
0x87: {  	_ =	shalt  }
.Lfunc_end0:
.L_simem_size_0:
called_computation.2_lowered:
.L_overlay_start_0:
0x88: {  	s2 =	sld [smem:$0x3FD9]  }
0x89: {  	s3 =	sld [smem:$0x3FFE];
	_ =	sdelay $0x1  }
0x8a: {  	s1 =	srdreg.scid  }
0x8b: {  	s0 =	sand.u32 $0x1, s1  }
0x8c: {  	s17 =	sshll.u32 s0, $0xA;
	s2 =	sadd.s32 s3, s2  }
0x8d: {  	s2 =	sadd.s32 s2, s17  }
0x8e: {  	[smem:$0x3FC2] =	sst s2  }
0x8f: {  	_ = 	snop  }
0x90: {  	s2 =	sld [smem:$0x3FD0];
	(tm) =	ssettm $0x1  }
0x91: {  	s18 =	sld [smem:$0x3FFB];
	_ =	sdelay $0x3  }
0x92: {  	_ =	strace s18  }
0x93: {  	s3 =	sld [smem:$0x3FFC];
	_ =	sdelay $0x3  }
0x94: {  	_ =	strace s3  }
0x95: {  	s3 =	sld [smem:$0x3FFD];
	_ =	sdelay $0x3  }
0x96: {  	_ =	strace s3  }
0x97: {  	_ =	strace $0x8FFFFFFF  }
0x98: {  	s19 =	sld [smem:$0x3FDB];
	_ =	sdelay $0x1  }
0x99: {  	s4 =	simm.s32 $_scs_section_size  }
0x9a: {  	s5 =	simm.s32 $_size__tile_overlayer_lowered;
	s6 =	simm.s32 $_tile_overlayer_lowered  }
0x9b: {  	s22 =	simm.s32 $0x1BFF;
	s21 =	sshll.u32 s6, $0x1;
	s3 =	sadd.s32 s4, s19  }
0x9c: {  	s7 =	simm.s32 $0x0;
	s20 =	sshll.u32 s5, $0x1;
	s5 =	sadd.s32 s21, s3  }
0x9d: {  	[timem:s7], [sflag:s22] =	dma.local [hbm:s5], s20  }
0x9e: {  	_ =	swait.ge [sflag:s22], s20  }
0x9f: {  	s4 =	ssub.s32 $0x0, s20;
	[sflag:s22] =	ssyncset.done $0x0  }
0xa0: {  	[sflag:s22] =	ssyncadd.s32 s4;
	_ =	sdelay $0x1  }
0xa1: {  	s23 =	simm.s32 $0x1B8B  }
0xa2: {  	_ =	swait.ge [sflag:s23], $0x1  }
0xa3: {  	[sflag:s23] =	ssyncset.done $0x0  }
0xa4: {  	s25 =	simm.s32 $0x1B8E;
	s24 =	sld [smem:$0x3FFE];
	[sflag:s23] =	ssyncadd.s32 $0xFFFFFFFF  }
0xa5: {  	s26 =	simm.s32 $execute0_lowered;
	[smem:$0x3FD2] =	sst s25  }
0xa6: {  	s5 =	sshll.u32 s26, $0x1;
	_ =	strace $0x8000004C;
	[dreg:$0x1] =	wrdreg $0xFFFFFFFF  }
0xa7: {  	s28 =	simm.s32 $_size_execute0_lowered;
	s3 =	sadd.s32 s3, s5;
	[dreg:$0x0] =	wrdreg $0x0  }
0xa8: {  	s5 =	sshll.u32 s28, $0x1;
	[dreg:$0x2] =	wrdreg s3  }
0xa9: {  	[dreg:$0x3] =	wrdreg s5  }
0xaa: {  	[dreg:$0x4] =	wrdreg $0xC0  }
0xab: {  	_ =	task [dreg:s7], $0x5FFFF  }
0xac: {  	[dreg:$0x1] =	wrdreg $0xFFFFFFFF  }
0xad: {  	[dreg:$0x0] =	wrdreg $0x60  }
0xae: {  	[dreg:$0x2] =	wrdreg s24  }
0xaf: {  	[dreg:$0x3] =	wrdreg s2  }
0xb0: {  	[dreg:$0x4] =	wrdreg $0xA8000  }
0xb1: {  	[dreg:$0x5] =	wrdreg $0x9  }
0xb2: {  	_ =	task.clear_ibuf [dreg:s7], $0x6FFFF;
	_ =	strace $0x9000004C  }
0xb3: {  	s29 =	simm.s32 $0x9;
	_ =	strace $0x8000004E  }
0xb4: {  	_ =	swait.ge [sflag:s29], $0x1  }
0xb5: {  	[sflag:s29] =	ssyncadd.s32 $0xFFFFFFFF  }
0xb6: {  	_ =	strace $0x9000004E  }
0xb7: {  	_ =	sfence  }
0xb8: {  	s30 =	sld [smem:$0x0];
	_ =	sdelay $0x2  }
0xb9: {  	s31 =	sshll.u32 s1, $0xD;
	s1 =	sshrl.u32 s1, $0x2  }
0xba: {  	s3 =	sand.u32 $0x4000, s31;
	s1 =	sadd.s32 s1, s30  }
0xbb: {  	s0 =	sor.u32 s3, s0;
	s1 =	sshll.u32 s1, $0x11  }
0xbc: {  	s0 =	sor.u32 s1, s0  }
0xbd: {  	s0 =	sadd.s32 $0x8F2B, s0  }
0xbe: {  	[sflag:s0] =	ssyncadd.remote.s32 $0x1  }
0xbf: {  	_ =	sfence.sel $0xFFFF  }
0xc0: {  	[dreg:$0x0] =	wrdreg $0xFFFFFFFF;
	(pc) =	sbr.abs _section_cstart, $3  }
0xc1: {  	[dreg:$0x1] =	wrdreg $0xFFFFFFFF  }
0xc2: {  	_ =	task.clear_ibuf [dreg:s7], $0x2FFFF;
	_ =	strace $0x9FFFFFFF  }
0xc3: {  	(tm) =	ssettm $0x7FFFFFFF  }
tec
execute0_lowered:
.L_overlay_start_1:
0x0: {  	(tag) =	ssettag $0x1  }
0x1: {  	s5 =	rddreg [dreg:$0x0]  }
0x2: {  	s12 =	rddreg [dreg:$0x1]  }
0x3: {  	s2 =	rddreg [dreg:$0x2]  }
0x4: {  	s0 =	rddreg [dreg:$0x3];
	s1 =	stileid.u32  }
0x5: {  	s4 =	srdreg.scid;
	s3 =	simm.s32 $0x0;
	s15 =	simm.s32 $0x2800  }
0x6: {  	s16 =	simm.s32 $0x1;
	s17 =	simm.s32 $0x2780;
	s18 =	simm.s32 $0x2  }
0x7: {  	s19 =	simm.s32 $0x80;
	s20 =	simm.s32 $0x0;
	s6 =	smul.u32 $0x14000, s1  }
0x8: {  	s7 =	sand.u32 $0x1, s4;
	[smem:$0x7FF] =	sst s3;
	s4 =	sadd.s32 $0xC000, s5  }
0x9: {  	s11 =	sadd.s32 $0x2000, s5;
	s13 =	smul.u32 $0x50000, s1;
	s29 =	sshll.u32 s1, $0x6  }
0xa: {  	s8 =	smul.u32 $0x140000, s7;
	_ =	strace $0x8000004D;
	s25 =	ssub.s32 $0x2, s7  }
0xb: {  	s7 =	sshll.u32 s7, $0x4;
	s9 =	sshrl.u32 s6, $0x3;
	s10 =	sshrl.u32 s25, $0x1  }
0xc: {  	s26 =	sor.u32 s1, s7;
	s28 =	sshrl.u32 s13, $0x2;
	s6 =	sadd.s32 s6, s8  }
0xd: {  	s24 =	sadd.s32 s9, s5;
	s9 =	ssub.s32 s25, s10;
	s30 =	smul.u32 $0x500, s26  }
.Ltmp0:
0xe: {  	s13 =	sadd.s32 s28, s2;
	s6 =	sshrl.u32 s6, $0x3;
	(pc) =	sbr.rel .LBB2_1-.Ltmp0, $4  }
0xf: {  	s8 =	smax.u32 s9, $0x1;
	s13 =	sshrl.u32 s13, $0x3;
	s14 =	sadd.s32 s6, s5  }
0x10: {  	s5 =	sadd.s32 $0x34000, s24;
	s6 =	sor.u32 $0x1C03, s29;
	s31 =	sadd.s32 $0x280, s30  }
0x11: {  	s9 =	sadd.s32 s11, s30;
	s10 =	sadd.s32 s12, s30;
	s7 =	sadd.s32 $0x5C000, s14  }
0x12: {  	s11 =	sadd.s32 s11, s31;
	s12 =	sadd.s32 s12, s31;
	s14 =	simm.s32 $0x3  }
.LBB2_7:
0x13: {  	[spmem:s2] =	stream.indirect.scatter.add.f32 [tilespmem:s24], [sflag:$0x2], $0x80, s17, s19, $0xb8;
	[tilespmem:$0x1E800] =	vst v63  }
0x14: {  	_ =	swait.ge [sflag:s18], $0x4000  }
0x15: {  	s20 =	sadd.s32 $0x1, s20;
	[sflag:s18] =	ssyncset.done $0x0  }
0x16: {  	p0 =	sne.s32 s20, s8;
	[sflag:s18] =	ssyncadd.s32 $0xFFFFC000  }
.Ltmp1:
0x17: {  	[bflag:$0x0] =	sbarrier.arrive $0xFFFF;
	(pc) =	sbr.rel @!p0 .LBB2_8-.Ltmp1, $4  }
0x18: {  	[hbm:s7], [sflag:s6] =	dma.local [spmem:s13], $0x2800  }
0x19: {  	_ =	swait.ge [sflag:s14], $0x2800  }
0x1a: {  	[sflag:s14] =	ssyncset.done $0x0  }
0x1b: {  	[sflag:s14] =	ssyncadd.s32 $0xFFFFD800  }
.LBB2_1:
0x1c: {  	[spmem:s13], [sflag:s6] =	dma.local [hbm:s5], $0x2800  }
0x1d: {  	_ =	swait.ge [sflag:s14], $0x2800  }
0x1e: {  	[sflag:s14] =	ssyncset.done $0x0  }
0x1f: {  	[sflag:s14] =	ssyncadd.s32 $0xFFFFD800  }
0x20: {  	[bflag:$0x0] =	sbarrier.arrive $0xFFFF  }
0x21: {  	[tilespmem:s3], [sflag:$0x3] =	stream.linear.gather [hbm4b:s9+s3], $0x1400, $0x38;
	[tilespmem:$0x1E800] =	vst v63  }
0x22: {  	_ =	swait.ge [sflag:s14], $0x1400  }
0x23: {  	[sflag:s14] =	ssyncset.done $0x0  }
0x24: {  	s21 =	simm.s32 $0x1400;
	[sflag:s14] =	ssyncadd.s32 $0xFFFFEC00  }
0x25: {  	[tilespmem:s21], [sflag:$0x3] =	stream.linear.gather [hbm4b:s10+s3], $0x1400, $0x38;
	[tilespmem:$0x1E800] =	vst v63  }
0x26: {  	_ =	swait.ge [sflag:s14], $0x1400  }
0x27: {  	[sflag:s14] =	ssyncset.done $0x0  }
0x28: {  	s22 =	simm.s32 $0x0;
	s23 =	simm.s32 $0x80;
	[sflag:s14] =	ssyncadd.s32 $0xFFFFEC00  }
0x29: {  	[tilespmem:s15], [sflag:$0x1] =	stream.indirect.gather [hbm4b:s4+s19], $0x80, s3, s19, $0xb8;
	[tilespmem:$0x1E800] =	vst v63  }
.LBB2_2:
0x2a: {  	p0 =	seq.s32 s22, $0x0  }
0x2b: {  	p1 =	seq.s32 @!p0 s22, $0x27  }
0x2c: {  	_ =	swait.ge [sflag:s16], $0x4000;
	p1 =	por p0, !p1  }
.Ltmp2:
0x2d: {  	[sflag:s16] =	ssyncset.done $0x0;
	(pc) =	sbr.rel @!p1 .LBB2_4-.Ltmp2, $4  }
0x2e: {  	s26 =	simm.s32 @!p0 $0x2;
	[sflag:s16] =	ssyncadd.s32 $0xFFFFC000  }
0x2f: {  	s24 =	sand.u32 $0x1, s22;
	_ =	swait.ge @!p0 [sflag:s26], $0x4000  }
0x30: {  	s25 =	sshll.u32 s24, $0xE;
	[sflag:s26] =	ssyncset.done @!p0 $0x0  }
0x31: {  	s24 =	sor.u32 $0x2800, s25;
	[sflag:s26] =	ssyncadd.s32 @!p0 $0xFFFFC000  }
.Ltmp3:
0x32: {  	s25 =	sxor.u32 $0x6800, s25;
	(pc) =	sbr.rel .LBB2_2-.Ltmp3, $4  }
0x33: {  	[tilespmem:s25], [sflag:$0x1] =	stream.indirect.gather [hbm4b:s4+s19], $0x80, s23, s19, $0xb8;
	[tilespmem:$0x1E800] =	vst v63  }
0x34: {  	_ = 	snop  }
0x35: {  	[spmem:s2] =	stream.indirect.scatter.add.f32 [tilespmem:s24], [sflag:$0x2], $0x80, s21, s19, $0xb8;
	[tilespmem:$0x1E800] =	vst v63  }
0x36: {  	s22 =	sadd.s32 $0x1, s22;
	s23 =	sadd.s32 $0x80, s23;
	s21 =	sadd.s32 $0x80, s21  }
.LBB2_4:
0x37: {  	s21 =	simm.s32 $0x80  }
0x38: {  	[spmem:s2] =	stream.indirect.scatter.add.f32 [tilespmem:s24], [sflag:$0x2], $0x80, s17, s21, $0xb8;
	[tilespmem:$0x1E800] =	vst v63  }
0x39: {  	_ =	swait.ge [sflag:s18], $0x4000  }
0x3a: {  	[sflag:s18] =	ssyncset.done $0x0  }
0x3b: {  	s22 =	simm.s32 $0x0;
	[sflag:s18] =	ssyncadd.s32 $0xFFFFC000  }
0x3c: {  	[tilespmem:s22], [sflag:$0x3] =	stream.linear.gather [hbm4b:s11+s22], $0x1400, $0x38;
	[tilespmem:$0x1E800] =	vst v63  }
0x3d: {  	_ =	swait.ge [sflag:s14], $0x1400  }
0x3e: {  	[sflag:s14] =	ssyncset.done $0x0  }
0x3f: {  	s23 =	simm.s32 $0x1400;
	[sflag:s14] =	ssyncadd.s32 $0xFFFFEC00  }
0x40: {  	[tilespmem:s23], [sflag:$0x3] =	stream.linear.gather [hbm4b:s12+s22], $0x1400, $0x38;
	[tilespmem:$0x1E800] =	vst v63  }
0x41: {  	_ =	swait.ge [sflag:s14], $0x1400  }
0x42: {  	[sflag:s14] =	ssyncset.done $0x0  }
0x43: {  	[sflag:s14] =	ssyncadd.s32 $0xFFFFEC00  }
0x44: {  	[tilespmem:s15], [sflag:$0x1] =	stream.indirect.gather [hbm4b:s4+s21], $0x80, s22, s21, $0xb8;
	[tilespmem:$0x1E800] =	vst v63  }
.LBB2_5:
0x45: {  	p0 =	seq.s32 s22, $0x0  }
0x46: {  	p1 =	seq.s32 @!p0 s22, $0x27  }
0x47: {  	_ =	swait.ge [sflag:s16], $0x4000;
	p1 =	por p0, !p1  }
.Ltmp4:
0x48: {  	[sflag:s16] =	ssyncset.done $0x0;
	(pc) =	sbr.rel @!p1 .LBB2_7-.Ltmp4, $4  }
0x49: {  	s26 =	simm.s32 @!p0 $0x2;
	[sflag:s16] =	ssyncadd.s32 $0xFFFFC000  }
0x4a: {  	s24 =	sand.u32 $0x1, s22;
	_ =	swait.ge @!p0 [sflag:s26], $0x4000  }
0x4b: {  	s25 =	sshll.u32 s24, $0xE;
	[sflag:s26] =	ssyncset.done @!p0 $0x0  }
0x4c: {  	s24 =	sor.u32 $0x2800, s25;
	[sflag:s26] =	ssyncadd.s32 @!p0 $0xFFFFC000  }
.Ltmp5:
0x4d: {  	s25 =	sxor.u32 $0x6800, s25;
	(pc) =	sbr.rel .LBB2_5-.Ltmp5, $4  }
0x4e: {  	[tilespmem:s25], [sflag:$0x1] =	stream.indirect.gather [hbm4b:s4+s19], $0x80, s21, s19, $0xb8;
	[tilespmem:$0x1E800] =	vst v63  }
0x4f: {  	_ = 	snop  }
0x50: {  	[spmem:s2] =	stream.indirect.scatter.add.f32 [tilespmem:s24], [sflag:$0x2], $0x80, s23, s19, $0xb8;
	[tilespmem:$0x1E800] =	vst v63  }
0x51: {  	s22 =	sadd.s32 $0x1, s22;
	s21 =	sadd.s32 $0x80, s21;
	s23 =	sadd.s32 $0x80, s23  }
.LBB2_8:
0x52: {  	_ =	sfence.sel $0x180000  }
0x53: {  	[bflag:$0x0] =	sbarrier.arrive $0xFFFF  }
0x54: {  	p0 =	sne.s32 s1, $0x0;
	_ =	strace $0x9000004D  }
0x55: {  	s0 =	sadd.s32 @!p0 $0x100000, s0;
	[bflag:$0x2] =	sbarrier.arrive $0xFFFF  }
0x56: {  	[sflag:s0] =	ssyncadd.tile.s32 @!p0 $0x1;
	_ =	shalt  }
.Lfunc_end2:
_tile_overlayer_lowered:
.L_overlay_start_2:
0x57: {  	(tag) =	ssettag $0x2  }
0x58: {  	s0 =	rddreg [dreg:$0x0];
	s2 =	stileid.u32  }
0x59: {  	s1 =	rddreg [dreg:$0x1];
	p0 =	sne.s32 s2, $0x0  }
0x5a: {  	s3 =	rddreg [dreg:$0x2];
	[bflag:$0x3] =	sbarrier.arrive $0xFFFF;
	s2 =	simm.s32 @!p0 $0x1C03  }
0x5b: {  	[timem:s3], [sflag:s2] =	dma.local @!p0 [hbm:s0], s1  }
0x5c: {  	s0 =	simm.s32 @!p0 $0x3  }
0x5d: {  	_ =	swait.ge @!p0 [sflag:s0], s1  }
0x5e: {  	s1 =	ssub.s32 @!p0 $0x0, s1;
	[sflag:s0] =	ssyncset.done @!p0 $0x0  }
0x5f: {  	[sflag:s0] =	ssyncadd.s32 @!p0 s1  }
0x60: {  	[bflag:$0x3] =	sbarrier.arrive $0xFFFF  }
0x61: {  	_ =	shalt  }

// kernel: kernel.8.cloned.1.call-start
scs
__scs_entry_jumppad:
0x0: {  	(pc) =	sbr.rel $0x88, $3  }
0x1: {  	(tag) =	ssettag $0x0;
	lr =	simm.s32 $0x1  }
0x2: {  	[smem:$0x3F9B] =	sst lr;
	_ =	strace $0xD0000000  }
0x3: {  	_ = 	snop  }
0x4: {  	_ = 	snop  }
0x5: {  	_ = 	snop  }
0x6: {  	_ = 	snop  }
0x7: {  	_ = 	snop  }
__scs_overlays_trampoline_lowered:
0x8: {  	[smem:$0x3FAA] =	sst s0  }
0x9: {  	[smem:$0x3FAB] =	sst s1  }
0xa: {  	[smem:$0x3FAC] =	sst s2  }
0xb: {  	[smem:$0x3FAD] =	sst s3  }
0xc: {  	[smem:$0x3FAE] =	sst s4  }
0xd: {  	[smem:$0x3FAF] =	sst s5  }
0xe: {  	[smem:$0x3FB0] =	sst s6  }
0xf: {  	[smem:$0x3FB1] =	sst s7  }
0x10: {  	[smem:$0x3FB2] =	sst s8  }
0x11: {  	[smem:$0x3FB3] =	sst s9;
	s0 =	simm.s32 @!p0 $0x0  }
0x12: {  	s1 =	sld [smem:$0x3F99];
	s0 =	simm.s32 @p0 $0x1  }
0x13: {  	[smem:$0x3FB4] =	sst s0;
	s0 =	simm.s32 @!p1 $0x0  }
0x14: {  	s2 =	sld [smem:$0x3F98];
	s0 =	simm.s32 @p1 $0x1  }
0x15: {  	[smem:$0x3FB5] =	sst s0;
	s0 =	simm.s32 @!p2 $0x0  }
0x16: {  	s3 =	sld [smem:$0x3FDB];
	s0 =	simm.s32 @p2 $0x1  }
0x17: {  	s4 =	simm.s32 $0x1BF5;
	[smem:$0x3FB7] =	sst s0  }
0x18: {  	s0 =	sld [smem:$0x3F9A];
	_ =	swait.ge [sflag:s4], $0x0  }
0x19: {  	s7 =	sld [smem:$0x3F9B]  }
0x1a: {  	s8 =	sadd.s32 $0xFFFFE003, lr  }
0x1b: {  	s9 =	sadd.s32 $0xFFFFFEF7, lr;
	s5 =	simm.s32 $0xFFFFFFFF;
	p2 =	slt.u32 s8, $0xFFFFF086  }
0x1c: {  	p1 =	slt.u32 s9, $0xF7A;
	s5 =	simm.s32 @!p2 $0x0  }
0x1d: {  	s5 =	simm.s32 @p1 $0x1;
	p0 =	seq.s32 s7, s2  }
0x1e: {  	s7 =	smul.u32 @!p0 $0xF7A, s2;
	p2 =	seq.s32 @!p0 s5, $0x0  }
0x1f: {  	s9 =	smul.u32 $0xF7A, s1;
	s8 =	simm.s32 @!p0 $0x1BF5;
	p2 =	por !p2, p0  }
0x20: {  	[sflag:s8] =	ssyncset.s32 @!p0 $0xFFFFF086;
	s6 =	sadd.s32 @!p0 s3, s7;
	s7 =	simm.s32 @!p0 $0x108  }
0x21: {  	s3 =	sadd.s32 s3, s9;
	s6 =	sadd.s32 @!p0 $0x88, s6;
	s7 =	simm.s32 @p2 $0x1082  }
0x22: {  	[simem:s7], [sflag:s8] =	dma.local @!p0 [hbm:s6], $0xF7A  }
0x23: {  	s9 =	sor.u32 $0xD0000000, s2;
	s6 =	simm.s32 $0x108;
	_ =	swait.ge @!p0 [sflag:s8], $0x0  }
0x24: {  	s3 =	sadd.s32 $0x88, s3;
	s6 =	simm.s32 @!p1 $0x1082;
	[sflag:s4] =	ssyncset.s32 $0xFFFFF086  }
0x25: {  	[simem:s6], [sflag:s4] =	dma.local [hbm:s3], $0xF7A  }
0x26: {  	[smem:$0x3F9B] =	sst s1;
	(tag) =	ssettag s2;
	_ =	strace s9  }
0x27: {  	s1 =	sld [smem:$0x3FAB]  }
0x28: {  	s2 =	sld [smem:$0x3FAC]  }
0x29: {  	s4 =	sld [smem:$0x3FAE]  }
0x2a: {  	p0 =	seq.s32 s5, $0x0;
	s5 =	sld [smem:$0x3FAF]  }
0x2b: {  	s6 =	sld [smem:$0x3FB0]  }
0x2c: {  	s7 =	sld [smem:$0x3FB1]  }
0x2d: {  	s3 =	simm.s32 $0x108;
	s8 =	sld [smem:$0x3FB2]  }
0x2e: {  	s3 =	simm.s32 @!p0 $0x1082;
	s9 =	sld [smem:$0x3FB3]  }
0x2f: {  	lr =	sadd.s32 s0, s3;
	s0 =	sld [smem:$0x3FAA]  }
0x30: {  	s3 =	sld [smem:$0x3FAD]  }
0x31: {  	[smem:$0x3FB6] =	sst s10  }
0x32: {  	s10 =	sld [smem:$0x3FB4];
	_ =	sdelay $0x3  }
0x33: {  	p0 =	seq.s32 s10, $0x1;
	s10 =	sld [smem:$0x3FB6];
	_ =	sdelay $0x3  }
0x34: {  	[smem:$0x3FB6] =	sst s10  }
0x35: {  	s10 =	sld [smem:$0x3FB5];
	_ =	sdelay $0x3  }
0x36: {  	p1 =	seq.s32 s10, $0x1;
	s10 =	sld [smem:$0x3FB6];
	_ =	sdelay $0x3  }
0x37: {  	[smem:$0x3FB6] =	sst s10  }
0x38: {  	s10 =	sld [smem:$0x3FB7]  }
0x39: {  	_ = 	snop;
	(pc) =	sbr.ind lr, $3  }
0x3a: {  	_ = 	snop  }
0x3b: {  	_ = 	snop  }
0x3c: {  	p2 =	seq.s32 s10, $0x1;
	s10 =	sld [smem:$0x3FB6]  }
0x3d: {  	_ =	shalt  }
0x3e: {  	_ =	shalt  }
0x3f: {  	_ =	shalt  }
0x40: {  	_ =	shalt  }
0x41: {  	_ =	shalt  }
0x42: {  	_ =	shalt  }
0x43: {  	_ =	shalt  }
0x44: {  	_ =	shalt  }
0x45: {  	_ =	shalt  }
0x46: {  	_ =	shalt  }
0x47: {  	_ =	shalt  }
0x48: {  	_ =	shalt  }
0x49: {  	_ =	shalt  }
0x4a: {  	_ =	shalt  }
0x4b: {  	_ =	shalt  }
0x4c: {  	_ =	shalt  }
0x4d: {  	_ =	shalt  }
0x4e: {  	_ =	shalt  }
0x4f: {  	_ =	shalt  }
0x50: {  	_ =	shalt  }
0x51: {  	_ =	shalt  }
0x52: {  	_ =	shalt  }
0x53: {  	_ =	shalt  }
0x54: {  	_ =	shalt  }
0x55: {  	_ =	shalt  }
0x56: {  	_ =	shalt  }
0x57: {  	_ =	shalt  }
0x58: {  	_ =	shalt  }
0x59: {  	_ =	shalt  }
0x5a: {  	_ =	shalt  }
0x5b: {  	_ =	shalt  }
0x5c: {  	_ =	shalt  }
0x5d: {  	_ =	shalt  }
0x5e: {  	_ =	shalt  }
0x5f: {  	_ =	shalt  }
0x60: {  	_ =	shalt  }
0x61: {  	_ =	shalt  }
0x62: {  	_ =	shalt  }
0x63: {  	_ =	shalt  }
0x64: {  	_ =	shalt  }
0x65: {  	_ =	shalt  }
0x66: {  	_ =	shalt  }
0x67: {  	_ =	shalt  }
0x68: {  	_ =	shalt  }
0x69: {  	_ =	shalt  }
0x6a: {  	_ =	shalt  }
0x6b: {  	_ =	shalt  }
0x6c: {  	_ =	shalt  }
0x6d: {  	_ =	shalt  }
0x6e: {  	_ =	shalt  }
0x6f: {  	_ =	shalt  }
0x70: {  	_ =	shalt  }
0x71: {  	_ =	shalt  }
0x72: {  	_ =	shalt  }
0x73: {  	_ =	shalt  }
0x74: {  	_ =	shalt  }
0x75: {  	_ =	shalt  }
0x76: {  	_ =	shalt  }
0x77: {  	_ =	shalt  }
0x78: {  	_ =	shalt  }
0x79: {  	_ =	shalt  }
0x7a: {  	_ =	shalt  }
0x7b: {  	_ =	shalt  }
0x7c: {  	_ =	shalt  }
0x7d: {  	_ =	shalt  }
0x7e: {  	_ =	shalt  }
0x7f: {  	_ =	shalt  }
0x80: {  	_ =	shalt  }
0x81: {  	_ =	shalt  }
0x82: {  	_ =	shalt  }
0x83: {  	_ =	shalt  }
0x84: {  	_ =	shalt  }
0x85: {  	_ =	shalt  }
0x86: {  	_ =	shalt  }
0x87: {  	_ =	shalt  }
.Lfunc_end0:
.L_simem_size_0:
called_computation_lowered:
.L_overlay_start_0:
0x88: {  	s2 =	sld [smem:$0x3FD9]  }
0x89: {  	s3 =	sld [smem:$0x3FFE];
	_ =	sdelay $0x1  }
0x8a: {  	s1 =	srdreg.scid  }
0x8b: {  	s0 =	sand.u32 $0x1, s1  }
0x8c: {  	s17 =	sshll.u32 s0, $0xA;
	s2 =	sadd.s32 s3, s2  }
0x8d: {  	s2 =	sadd.s32 s2, s17  }
0x8e: {  	[smem:$0x3FC2] =	sst s2  }
0x8f: {  	_ = 	snop  }
0x90: {  	s2 =	sld [smem:$0x3FD0];
	(tm) =	ssettm $0x1  }
0x91: {  	s18 =	sld [smem:$0x3FFB];
	_ =	sdelay $0x3  }
0x92: {  	_ =	strace s18  }
0x93: {  	s3 =	sld [smem:$0x3FFC];
	_ =	sdelay $0x3  }
0x94: {  	_ =	strace s3  }
0x95: {  	s3 =	sld [smem:$0x3FFD];
	_ =	sdelay $0x3  }
0x96: {  	_ =	strace s3  }
0x97: {  	_ =	strace $0x8FFFFFFF  }
0x98: {  	s19 =	sld [smem:$0x3FDB];
	_ =	sdelay $0x1  }
0x99: {  	s4 =	simm.s32 $_scs_section_size  }
0x9a: {  	s5 =	simm.s32 $_size__tile_overlayer_lowered;
	s6 =	simm.s32 $_tile_overlayer_lowered  }
0x9b: {  	s22 =	simm.s32 $0x1BFF;
	s21 =	sshll.u32 s6, $0x1;
	s3 =	sadd.s32 s4, s19  }
0x9c: {  	s7 =	simm.s32 $0x0;
	s20 =	sshll.u32 s5, $0x1;
	s5 =	sadd.s32 s21, s3  }
0x9d: {  	[timem:s7], [sflag:s22] =	dma.local [hbm:s5], s20  }
0x9e: {  	_ =	swait.ge [sflag:s22], s20  }
0x9f: {  	s4 =	ssub.s32 $0x0, s20;
	[sflag:s22] =	ssyncset.done $0x0  }
0xa0: {  	[sflag:s22] =	ssyncadd.s32 s4;
	_ =	sdelay $0x1  }
0xa1: {  	s23 =	simm.s32 $0x1B8B  }
0xa2: {  	_ =	swait.ge [sflag:s23], $0x1  }
0xa3: {  	[sflag:s23] =	ssyncset.done $0x0  }
0xa4: {  	s25 =	simm.s32 $0x1B8E;
	s24 =	sld [smem:$0x3FFE];
	[sflag:s23] =	ssyncadd.s32 $0xFFFFFFFF  }
0xa5: {  	s26 =	simm.s32 $execute0_lowered;
	[smem:$0x3FD2] =	sst s25  }
0xa6: {  	s5 =	sshll.u32 s26, $0x1;
	_ =	strace $0x80000046;
	[dreg:$0x1] =	wrdreg $0xFFFFFFFF  }
0xa7: {  	s28 =	simm.s32 $_size_execute0_lowered;
	s3 =	sadd.s32 s3, s5;
	[dreg:$0x0] =	wrdreg $0x0  }
0xa8: {  	s5 =	sshll.u32 s28, $0x1;
	[dreg:$0x2] =	wrdreg s3  }
0xa9: {  	[dreg:$0x3] =	wrdreg s5  }
0xaa: {  	[dreg:$0x4] =	wrdreg $0xC0  }
0xab: {  	_ =	task [dreg:s7], $0x5FFFF  }
0xac: {  	[dreg:$0x1] =	wrdreg $0xFFFFFFFF  }
0xad: {  	[dreg:$0x0] =	wrdreg $0x60  }
0xae: {  	[dreg:$0x2] =	wrdreg s2  }
0xaf: {  	[dreg:$0x3] =	wrdreg s24  }
0xb0: {  	[dreg:$0x4] =	wrdreg $0x28800  }
0xb1: {  	[dreg:$0x5] =	wrdreg $0x9  }
0xb2: {  	_ =	task.clear_ibuf [dreg:s7], $0x6FFFF;
	_ =	strace $0x90000046  }
0xb3: {  	s29 =	simm.s32 $0x9;
	_ =	strace $0x80000048  }
0xb4: {  	_ =	swait.ge [sflag:s29], $0x1  }
0xb5: {  	[sflag:s29] =	ssyncadd.s32 $0xFFFFFFFF  }
0xb6: {  	_ =	strace $0x90000048  }
0xb7: {  	_ =	sfence  }
0xb8: {  	s30 =	sld [smem:$0x0];
	_ =	sdelay $0x2  }
0xb9: {  	s31 =	sshll.u32 s1, $0xD;
	s1 =	sshrl.u32 s1, $0x2  }
0xba: {  	s3 =	sand.u32 $0x4000, s31;
	s1 =	sadd.s32 s1, s30  }
0xbb: {  	s0 =	sor.u32 s3, s0;
	s1 =	sshll.u32 s1, $0x11  }
0xbc: {  	s0 =	sor.u32 s1, s0  }
0xbd: {  	s0 =	sadd.s32 $0x8F2B, s0  }
0xbe: {  	[sflag:s0] =	ssyncadd.remote.s32 $0x1  }
0xbf: {  	_ =	sfence.sel $0xFFFF  }
0xc0: {  	[dreg:$0x0] =	wrdreg $0xFFFFFFFF;
	(pc) =	sbr.abs _section_cstart, $3  }
0xc1: {  	[dreg:$0x1] =	wrdreg $0xFFFFFFFF  }
0xc2: {  	_ =	task.clear_ibuf [dreg:s7], $0x2FFFF;
	_ =	strace $0x9FFFFFFF  }
0xc3: {  	(tm) =	ssettm $0x7FFFFFFF  }
tec
execute0_lowered:
.L_overlay_start_1:
0x0: {  	(tag) =	ssettag $0x1  }
0x1: {  	s6 =	rddreg [dreg:$0x0]  }
0x2: {  	s4 =	rddreg [dreg:$0x1]  }
0x3: {  	s2 =	rddreg [dreg:$0x2]  }
0x4: {  	s0 =	rddreg [dreg:$0x3];
	s1 =	stileid.u32  }
0x5: {  	s3 =	simm.s32 $0x0;
	s7 =	srdreg.scid;
	s13 =	simm.s32 $0x20  }
0x6: {  	s14 =	simm.s32 $0x10;
	s15 =	simm.s32 $0x0;
	s5 =	smul.u32 $0x280, s1  }
0x7: {  	[smem:$0x7FF] =	sst s3;
	s7 =	sand.u32 $0x1, s7;
	s8 =	smul.u32 $0x500, s1  }
0x8: {  	s31 =	sshll.u32 s1, $0x6;
	_ =	strace $0x80000047;
	s10 =	sshll.u32 s7, $0x7  }
0x9: {  	s29 =	sshll.u32 s7, $0x4;
	s7 =	ssub.s32 $0x2, s7;
	s9 =	sshrl.u32 s5, $0x3  }
0xa: {  	s8 =	sor.u32 s10, s8;
	s10 =	sor.u32 s1, s29;
	s30 =	sshrl.u32 s7, $0x1  }
0xb: {  	s12 =	sadd.s32 s5, s2;
	s5 =	sor.u32 $0x1C01, s31;
	s9 =	sadd.s32 s9, s4  }
0xc: {  	s8 =	sshrl.u32 s8, $0x3;
	s10 =	smul.u32 $0x500, s10;
	s11 =	ssub.s32 s7, s30  }
0xd: {  	s8 =	sadd.s32 s8, s4;
	s4 =	sadd.s32 $0xC000, s9;
	s9 =	sshrl.u32 s12, $0x3  }
0xe: {  	s12 =	simm.s32 $0x2800;
	s6 =	sadd.s32 s6, s10;
	s7 =	sadd.s32 $0xC600, s8  }
0xf: {  	v0 =	vimm.f32 $1.000000000e+00;
	s8 =	smax.u32 s11, $0x1;
	s10 =	simm.s32 $0x1;
	s11 =	simm.s32 $0x80  }
.LBB2_1:
0x10: {  	[spmem:s9], [sflag:s5] =	dma.local [hbm:s4], $0x50  }
0x11: {  	_ =	swait.ge [sflag:s10], $0x50  }
0x12: {  	[sflag:s10] =	ssyncset.done $0x0  }
0x13: {  	[sflag:s10] =	ssyncadd.s32 $0xFFFFFFB0  }
0x14: {  	[tilespmem:$0x2800] =	vst v0  }
0x15: {  	[tilespmem:$0x2810] =	vst v0  }
0x16: {  	[tilespmem:$0x2820] =	vst v0  }
0x17: {  	[tilespmem:$0x2830] =	vst v0  }
0x18: {  	[tilespmem:$0x2840] =	vst v0  }
0x19: {  	[tilespmem:$0x2850] =	vst v0  }
0x1a: {  	[tilespmem:$0x2860] =	vst v0  }
0x1b: {  	[tilespmem:$0x2870] =	vst v0  }
0x1c: {  	[tilespmem:s3], [sflag:$0x1] =	stream.linear.gather [hbm4b:s6+s3], $0x2800, $0x38;
	[tilespmem:$0x2B00] =	vst v63  }
0x1d: {  	_ =	swait.ge [sflag:s10], $0x2800  }
0x1e: {  	[sflag:s10] =	ssyncset.done $0x0  }
0x1f: {  	[sflag:s10] =	ssyncadd.s32 $0xFFFFD800  }
0x20: {  	s16 =	simm.s32 $0x0;
	[bflag:$0x0] =	sbarrier.arrive $0xFFFF  }
0x21: {  	[spmem:s2] =	stream.indirect.scatter.add.f32 [tilespmem:s12], [sflag:$0x1], $0x1, s16, s11, $0xb8;
	[tilespmem:$0x2B00] =	vst v63  }
0x22: {  	_ =	swait.ge [sflag:s10], $0x80  }
0x23: {  	s16 =	simm.s32 $0x200;
	[sflag:s10] =	ssyncset.done $0x0  }
.LBB2_2:
0x24: {  	s17 =	sshra.s32 s16, $0x2;
	[sflag:s10] =	ssyncadd.s32 $0xFFFFFF80;
	p0 =	sne.s32 s16, $0x9E00  }
0x25: {  	[spmem:s2] =	stream.indirect.scatter.add.f32 [tilespmem:s12], [sflag:$0x1], $0x1, s17, s11, $0xb8;
	[tilespmem:$0x2B00] =	vst v63  }
.Ltmp0:
0x26: {  	_ = 	snop;
	(pc) =	sbr.rel @p0 .LBB2_2-.Ltmp0, $4  }
0x27: {  	_ = 	snop  }
0x28: {  	s16 =	sadd.s32 $0x200, s16  }
0x29: {  	_ =	swait.ge [sflag:s10], $0x80  }
0x2a: {  	[sflag:s10] =	ssyncset.done $0x0  }
0x2b: {  	s15 =	sadd.s32 $0x1, s15  }
0x2c: {  	[sflag:s10] =	ssyncadd.s32 $0xFFFFFF80;
	p0 =	sne.s32 s15, s8  }
.Ltmp1:
0x2d: {  	[bflag:$0x0] =	sbarrier.arrive $0xFFFF;
	(pc) =	sbr.rel @p0 .LBB2_1-.Ltmp1, $4  }
0x2e: {  	[hbm:s7@s13], [sflag:s5] =	dma.strided [spmem:s9@s14], $0x50, s10, $0x10   }
0x2f: {  	_ =	swait.ge [sflag:s10], $0x50  }
0x30: {  	[sflag:s10] =	ssyncset.done $0x0  }
0x31: {  	[sflag:s10] =	ssyncadd.s32 $0xFFFFFFB0  }
0x32: {  	_ =	sfence.sel $0x180000  }
0x33: {  	[bflag:$0x0] =	sbarrier.arrive $0xFFFF  }
0x34: {  	p0 =	sne.s32 s1, $0x0;
	_ =	strace $0x90000047  }
0x35: {  	s0 =	sadd.s32 @!p0 $0x100000, s0;
	[bflag:$0x2] =	sbarrier.arrive $0xFFFF  }
0x36: {  	[sflag:s0] =	ssyncadd.tile.s32 @!p0 $0x1;
	_ =	shalt  }
.Lfunc_end2:
_tile_overlayer_lowered:
.L_overlay_start_2:
0x37: {  	(tag) =	ssettag $0x2  }
0x38: {  	s0 =	rddreg [dreg:$0x0];
	s2 =	stileid.u32  }
0x39: {  	s1 =	rddreg [dreg:$0x1];
	p0 =	sne.s32 s2, $0x0  }
0x3a: {  	s3 =	rddreg [dreg:$0x2];
	[bflag:$0x3] =	sbarrier.arrive $0xFFFF;
	s2 =	simm.s32 @!p0 $0x1C01  }
0x3b: {  	[timem:s3], [sflag:s2] =	dma.local @!p0 [hbm:s0], s1  }
0x3c: {  	s0 =	simm.s32 @!p0 $0x1  }
0x3d: {  	_ =	swait.ge @!p0 [sflag:s0], s1  }
0x3e: {  	s1 =	ssub.s32 @!p0 $0x0, s1;
	[sflag:s0] =	ssyncset.done @!p0 $0x0  }
0x3f: {  	[sflag:s0] =	ssyncadd.s32 @!p0 s1  }
0x40: {  	[bflag:$0x3] =	sbarrier.arrive $0xFFFF  }
0x41: {  	_ =	shalt  }

</sc_bundles>
